<compile_context>
chip_gen: v7x
topology: tpu7x:2x2x1
jax: 0.10.2.dev20260603
libtpu: 0.0.44.dev20260713+nightly
codegen_flags: <defaults>
</compile_context>

<pallas_src>
import functools

import jax
import jax.numpy as jnp
from jax import lax
from jax.experimental import pallas as pl
from jax.experimental.pallas import tpu as pltpu
from jax.experimental.pallas import tpu_sc as plsc

N_T = 10000
N_N = 10000
E = 320000
D = 128

NC = 2
NS = 16
NW = NC * NS

CHUNK = 128
SPLIT_GO = (112, 46)
SPLIT_RET = (112, 46)

N_ROWS = 10000
N_PAD = 10112
JUNK = N_ROWS
RPT = N_PAD // NS


def _prep_edges(edges, split):
    nch0, nch1 = split
    nchm = max(nch0, nch1)

    def split_cores(flat, fill):
        n0 = NS * nch0 * CHUNK
        a0 = flat[:n0].reshape(NS, nch0, CHUNK)
        a0 = jnp.pad(a0, ((0, 0), (0, nchm - nch0), (0, 0)),
                     constant_values=fill)
        a1 = flat[n0:].reshape(NS, nch1, CHUNK)
        a1 = jnp.pad(a1, ((0, 0), (0, nchm - nch1), (0, 0)),
                     constant_values=fill)
        return jnp.concatenate([a0, a1], axis=0)

    src = edges[0].astype(jnp.int32)
    dst = edges[1].astype(jnp.int32)
    pad = NS * (nch0 + nch1) * CHUNK - E
    src = jnp.concatenate([src, jnp.zeros((pad,), jnp.int32)])
    dst = jnp.concatenate([dst, jnp.full((pad,), JUNK, jnp.int32)])
    return split_cores(src, 0), split_cores(dst, JUNK)


def _make_segment_sum(split):
    nch0, nch1 = split
    nchm = max(nch0, nch1)

    @functools.partial(
        pl.kernel,
        out_type=jax.ShapeDtypeStruct((NC, N_PAD, D), jnp.float32),
        mesh=plsc.VectorSubcoreMesh(core_axis_name="c", subcore_axis_name="s"),
        scratch_types=[
            pltpu.VMEM_SHARED((N_PAD, D), jnp.float32),
            pltpu.VMEM((nchm, CHUNK), jnp.int32),
            pltpu.VMEM((nchm, CHUNK), jnp.int32),
            pltpu.VMEM((CHUNK, D), jnp.float32),
        ],
    )
    def segment_sum_sc(table_hbm, src_hbm, dst_hbm, zeros_hbm, out_hbm,
                       acc, dst_v, sidx, buf):
        c = lax.axis_index("c")
        s = lax.axis_index("s")
        wid = c * NS + s

        pltpu.sync_copy(zeros_hbm, buf)
        base = s * RPT
        for k in range(RPT // CHUNK):
            pltpu.sync_copy(buf, acc.at[pl.ds(base + k * CHUNK, CHUNK)])
        rem = RPT % CHUNK
        if rem:
            pltpu.sync_copy(buf.at[pl.ds(0, rem)],
                            acc.at[pl.ds(base + RPT - rem, rem)])
        pltpu.sync_copy(dst_hbm.at[wid], dst_v)
        plsc.subcore_barrier()

        pltpu.sync_copy(src_hbm.at[wid], sidx)

        def body(j, carry):
            pltpu.sync_copy(table_hbm.at[sidx.at[j]], buf)
            pltpu.sync_copy(buf, acc.at[dst_v.at[j]], add=True)
            return carry

        nch = jnp.where(c == 0, nch0, nch1)
        lax.fori_loop(0, nch, body, 0)
        plsc.subcore_barrier()

        for k in range(RPT // CHUNK):
            pltpu.sync_copy(acc.at[pl.ds(base + k * CHUNK, CHUNK)], buf)
            pltpu.sync_copy(buf, out_hbm.at[c, pl.ds(base + k * CHUNK, CHUNK)])
        if rem:
            pltpu.sync_copy(acc.at[pl.ds(base + RPT - rem, rem)],
                            buf.at[pl.ds(0, rem)])
            pltpu.sync_copy(buf.at[pl.ds(0, rem)],
                            out_hbm.at[c, pl.ds(base + RPT - rem, rem)])

    return segment_sum_sc


_segment_sum_go = _make_segment_sum(SPLIT_GO)
_segment_sum_ret = _make_segment_sum(SPLIT_RET)


BLK = 1000


def _mlp1_body(eps_ref, x_ref, a0_ref, a1_ref, w_ref, b_ref, o_ref):
    h = (1.0 + eps_ref[0]) * x_ref[...] + a0_ref[0] + a1_ref[0]
    o_ref[...] = jnp.dot(h, w_ref[...], preferred_element_type=jnp.float32,
                         precision=lax.Precision.HIGHEST) + b_ref[...]


def _mlp1(eps, x, a, w, b):
    row = pl.BlockSpec((BLK, D), lambda i: (i, 0))
    part0 = pl.BlockSpec((1, BLK, D), lambda i: (0, i, 0))
    part1 = pl.BlockSpec((1, BLK, D), lambda i: (1, i, 0))
    full = pl.BlockSpec((D, D), lambda i: (0, 0))
    vec = pl.BlockSpec((1, D), lambda i: (0, 0))
    return pl.pallas_call(
        _mlp1_body,
        grid=(N_ROWS // BLK,),
        in_specs=[pl.BlockSpec(memory_space=pltpu.SMEM),
                  row, part0, part1, full, vec],
        out_specs=row,
        out_shape=jax.ShapeDtypeStruct((N_ROWS, D), jnp.float32),
    )(eps, x, a, a, w, b.reshape(1, D))


def _mlp2_body(eps_ref, x_ref, a0_ref, a1_ref, wp_ref, bp_ref, wr_ref, br_ref,
               o_ref):
    proj = jnp.dot(x_ref[...], wp_ref[...], preferred_element_type=jnp.float32,
                   precision=lax.Precision.HIGHEST) + bp_ref[...]
    h = (1.0 + eps_ref[0]) * proj + a0_ref[0] + a1_ref[0]
    o_ref[...] = jnp.dot(h, wr_ref[...], preferred_element_type=jnp.float32,
                         precision=lax.Precision.HIGHEST) + br_ref[...]


def _mlp2(eps, x, a, wp, bp, wr, br):
    row = pl.BlockSpec((BLK, D), lambda i: (i, 0))
    part0 = pl.BlockSpec((1, BLK, D), lambda i: (0, i, 0))
    part1 = pl.BlockSpec((1, BLK, D), lambda i: (1, i, 0))
    full = pl.BlockSpec((D, D), lambda i: (0, 0))
    vec = pl.BlockSpec((1, D), lambda i: (0, 0))
    return pl.pallas_call(
        _mlp2_body,
        grid=(N_ROWS // BLK,),
        in_specs=[pl.BlockSpec(memory_space=pltpu.SMEM),
                  row, part0, part1, full, vec, full, vec],
        out_specs=row,
        out_shape=jax.ShapeDtypeStruct((N_ROWS, D), jnp.float32),
    )(eps, x, a, a, wp, bp.reshape(1, D), wr, br.reshape(1, D))


def kernel(x_target, x_neighbor, edge_go, edge_ret, W_proj, b_proj, W_go, b_go,
           W_ret, b_ret, eps_go, eps_ret):
    src_go, dst_go = _prep_edges(edge_go, SPLIT_GO)
    src_ret, dst_ret = _prep_edges(edge_ret, SPLIT_RET)
    zeros = jnp.zeros((CHUNK, D), jnp.float32)

    a_n = _segment_sum_go(x_target, src_go, dst_go, zeros)
    h_n = _mlp1(eps_go, x_neighbor, a_n, W_go, b_go)

    a_t = _segment_sum_ret(h_n, src_ret, dst_ret, zeros)
    h_t = _mlp2(eps_ret, x_target, a_t, W_proj, b_proj, W_ret, b_ret)
    return (h_t, h_n)

# --- scband reference (transcript-rebuilt; emitter-appended) ---
"""Pipeline reference for scband-hginlayer-80307298500977 (READ-ONLY COPY).

The authoritative reference and input builder live on the scoring server;
editing this copy changes nothing except your own understanding.
"""

import jax, jax.numpy as jnp
import numpy as np

N_T = 10000
N_N = 10000
E = 320000
D = 128

def setup_inputs(seed: int = 0) -> dict:
    key = jax.random.key(seed)
    ks = jax.random.split(key, 12)
    s = 1.0 / np.sqrt(D)
    inp = {}
    inp["x_target"] = jax.random.normal(ks[0], (N_T, D), dtype=jnp.float32)
    inp["x_neighbor"] = jax.random.normal(ks[1], (N_N, D), dtype=jnp.float32)
    # go edges: src = target node ids, dst = neighbor node ids
    inp["edge_go"] = jax.random.randint(ks[2], (2, E), 0, N_N, dtype=jnp.int64)
    # return edges: src = neighbor node ids, dst = target node ids
    inp["edge_ret"] = jax.random.randint(ks[3], (2, E), 0, N_T, dtype=jnp.int64)
    # learned parameters (num_mlp_layers=1 -> each MLP is a single Linear)
    inp["W_proj"] = jax.random.uniform(ks[4], (D, D), jnp.float32, -s, s)
    inp["b_proj"] = jax.random.uniform(ks[5], (D,), jnp.float32, -s, s)
    inp["W_go"] = jax.random.uniform(ks[6], (D, D), jnp.float32, -s, s)
    inp["b_go"] = jax.random.uniform(ks[7], (D,), jnp.float32, -s, s)
    inp["W_ret"] = jax.random.uniform(ks[8], (D, D), jnp.float32, -s, s)
    inp["b_ret"] = jax.random.uniform(ks[9], (D,), jnp.float32, -s, s)
    inp["eps_go"] = jnp.zeros((1,), jnp.float32)
    inp["eps_ret"] = jnp.zeros((1,), jnp.float32)
    return inp

def reference(x_target, x_neighbor, edge_go, edge_ret, W_proj, b_proj, W_go, b_go, W_ret, b_ret, eps_go, eps_ret):
    # --- go phase: copy_src('h','m') + sum('m','a') along etype 'go0' (target -> neighbor) ---
    msgs_go = jnp.take(x_target, edge_go[0], axis=0)              # gather src features [E, D]
    a_n = jax.ops.segment_sum(msgs_go, edge_go[1], num_segments=N_N)  # scatter-add to dst
    # apply_nodes on neighbor: h = MLP['go0']((1 + eps)*h + a)
    h_n = ((1.0 + eps_go) * x_neighbor + a_n) @ W_go + b_go
    # --- return phase: multi_send_and_recv sum over return etypes (neighbor -> target) ---
    msgs_ret = jnp.take(h_n, edge_ret[0], axis=0)                 # gather src features [E, D]
    a_t = jax.ops.segment_sum(msgs_ret, edge_ret[1], num_segments=N_T)
    # apply_nodes on target: h = project(h)
    h_t = x_target @ W_proj + b_proj
    # apply_nodes on target: h = MLP['Return']((1 + eps)*h + a)
    h_t = ((1.0 + eps_ret) * h_t + a_t) @ W_ret + b_ret
    # return {ntype: h} -> (target, neighbor)
    return (h_t, h_n)

if __name__ == "__main__":
    import jax
    _d = setup_inputs()
    print(jax.jit(kernel)(*tuple(_d.values())))

</pallas_src>

<mosaic_0001>
#map = affine_map<(d0, d1) -> (0, 0)>
#map1 = affine_map<(d0, d1) -> (0, 0, 0)>
module attributes {stable_mosaic.version = 14 : i64} {
  func.func @segment_sum_sc(%arg0: i32, %arg1: i32, %arg2: memref<10000x128xf32, #tpu.memory_space<hbm>>, %arg3: memref<32x112x128xi32, #tpu.memory_space<hbm>>, %arg4: memref<32x112x128xi32, #tpu.memory_space<hbm>>, %arg5: memref<128x128xf32, #tpu.memory_space<hbm>>, %arg6: memref<2x10112x128xf32, #tpu.memory_space<hbm>>, %arg7: memref<10112x128xf32, #tpu.memory_space<vmem_shared>>, %arg8: memref<112x128xi32, #tpu.memory_space<vmem>>, %arg9: memref<112x128xi32, #tpu.memory_space<vmem>>, %arg10: memref<128x128xf32, #tpu.memory_space<vmem>>) attributes {dimension_semantics = [#tpu.dimension_semantics<core_parallel>, #tpu.dimension_semantics<subcore_parallel>], iteration_bounds = array<i64: 2, 16>, scalar_prefetch = 0 : i64, scratch_operands = 4 : i64, tpu.core_type = #tpu.core_type<sc_vector_subcore>, window_params = [{transform_indices = #map}, {transform_indices = #map1}, {transform_indices = #map1}, {transform_indices = #map}, {transform_indices = #map1}]} {
    %mul3A = arith.constant 16 : i32
    %mul3A_0 = arith.muli %arg0, %mul3A : i32
    %add3A = arith.addi %mul3A_0, %arg1 : i32
    "tpu.region"() ({
      %run_scoped3A = tpu.sem_alloc : memref<!tpu.dma_semaphore, #tpu.memory_space<semaphore_mem>>
      tpu.enqueue_dma source(%arg5 : memref<128x128xf32, #tpu.memory_space<hbm>>) target(%arg10 : memref<128x128xf32, #tpu.memory_space<vmem>>) target_semaphore(%run_scoped3A : memref<!tpu.dma_semaphore, #tpu.memory_space<semaphore_mem>>)
      tpu.wait_dma2 semaphore(%run_scoped3A : memref<!tpu.dma_semaphore, #tpu.memory_space<semaphore_mem>>) src(%arg5 : memref<128x128xf32, #tpu.memory_space<hbm>>) dst(%arg10 : memref<128x128xf32, #tpu.memory_space<vmem>>)
      tpu.yield
    }) : () -> ()
    %mul3A_1 = arith.constant 632 : i32
    %mul3A_2 = arith.muli %arg1, %mul3A_1 : i32
    %add3A_3 = arith.constant 0 : i32
    %add3A_4 = arith.addi %mul3A_2, %add3A_3 : i32
    "tpu.region"() ({
      %run_scoped3A = tpu.sem_alloc : memref<!tpu.dma_semaphore, #tpu.memory_space<semaphore_mem>>
      %dma_start3A = arith.constant 0 : i32
      %dma_start3A_50 = tpu.memref_slice %arg7[%add3A_4, %dma_start3A] : memref<10112x128xf32, #tpu.memory_space<vmem_shared>> -> memref<128x128xf32, #tpu.memory_space<vmem_shared>>
      %dma_start3A_51 = arith.constant 0 : i32
      %dma_start3A_52 = tpu.memref_slice %arg7[%add3A_4, %dma_start3A_51] : memref<10112x128xf32, #tpu.memory_space<vmem_shared>> -> memref<128x128xf32, #tpu.memory_space<vmem_shared>>
      tpu.enqueue_dma source(%arg10 : memref<128x128xf32, #tpu.memory_space<vmem>>) target(%dma_start3A_52 : memref<128x128xf32, #tpu.memory_space<vmem_shared>>) target_semaphore(%run_scoped3A : memref<!tpu.dma_semaphore, #tpu.memory_space<semaphore_mem>>)
      %dma_wait3A = arith.constant 0 : i32
      %dma_wait3A_53 = tpu.memref_slice %arg7[%add3A_4, %dma_wait3A] : memref<10112x128xf32, #tpu.memory_space<vmem_shared>> -> memref<128x128xf32, #tpu.memory_space<vmem_shared>>
      %dma_wait3A_54 = arith.constant 0 : i32
      %dma_wait3A_55 = tpu.memref_slice %arg7[%add3A_4, %dma_wait3A_54] : memref<10112x128xf32, #tpu.memory_space<vmem_shared>> -> memref<128x128xf32, #tpu.memory_space<vmem_shared>>
      tpu.wait_dma2 semaphore(%run_scoped3A : memref<!tpu.dma_semaphore, #tpu.memory_space<semaphore_mem>>) src(%arg10 : memref<128x128xf32, #tpu.memory_space<vmem>>) dst(%dma_wait3A_55 : memref<128x128xf32, #tpu.memory_space<vmem_shared>>)
      tpu.yield
    }) : () -> ()
    %add3A_5 = arith.constant 128 : i32
    %add3A_6 = arith.addi %mul3A_2, %add3A_5 : i32
    "tpu.region"() ({
      %run_scoped3A = tpu.sem_alloc : memref<!tpu.dma_semaphore, #tpu.memory_space<semaphore_mem>>
      %dma_start3A = arith.constant 0 : i32
      %dma_start3A_50 = tpu.memref_slice %arg7[%add3A_6, %dma_start3A] : memref<10112x128xf32, #tpu.memory_space<vmem_shared>> -> memref<128x128xf32, #tpu.memory_space<vmem_shared>>
      %dma_start3A_51 = arith.constant 0 : i32
      %dma_start3A_52 = tpu.memref_slice %arg7[%add3A_6, %dma_start3A_51] : memref<10112x128xf32, #tpu.memory_space<vmem_shared>> -> memref<128x128xf32, #tpu.memory_space<vmem_shared>>
      tpu.enqueue_dma source(%arg10 : memref<128x128xf32, #tpu.memory_space<vmem>>) target(%dma_start3A_52 : memref<128x128xf32, #tpu.memory_space<vmem_shared>>) target_semaphore(%run_scoped3A : memref<!tpu.dma_semaphore, #tpu.memory_space<semaphore_mem>>)
      %dma_wait3A = arith.constant 0 : i32
      %dma_wait3A_53 = tpu.memref_slice %arg7[%add3A_6, %dma_wait3A] : memref<10112x128xf32, #tpu.memory_space<vmem_shared>> -> memref<128x128xf32, #tpu.memory_space<vmem_shared>>
      %dma_wait3A_54 = arith.constant 0 : i32
      %dma_wait3A_55 = tpu.memref_slice %arg7[%add3A_6, %dma_wait3A_54] : memref<10112x128xf32, #tpu.memory_space<vmem_shared>> -> memref<128x128xf32, #tpu.memory_space<vmem_shared>>
      tpu.wait_dma2 semaphore(%run_scoped3A : memref<!tpu.dma_semaphore, #tpu.memory_space<semaphore_mem>>) src(%arg10 : memref<128x128xf32, #tpu.memory_space<vmem>>) dst(%dma_wait3A_55 : memref<128x128xf32, #tpu.memory_space<vmem_shared>>)
      tpu.yield
    }) : () -> ()
    %add3A_7 = arith.constant 256 : i32
    %add3A_8 = arith.addi %mul3A_2, %add3A_7 : i32
    "tpu.region"() ({
      %run_scoped3A = tpu.sem_alloc : memref<!tpu.dma_semaphore, #tpu.memory_space<semaphore_mem>>
      %dma_start3A = arith.constant 0 : i32
      %dma_start3A_50 = tpu.memref_slice %arg7[%add3A_8, %dma_start3A] : memref<10112x128xf32, #tpu.memory_space<vmem_shared>> -> memref<128x128xf32, #tpu.memory_space<vmem_shared>>
      %dma_start3A_51 = arith.constant 0 : i32
      %dma_start3A_52 = tpu.memref_slice %arg7[%add3A_8, %dma_start3A_51] : memref<10112x128xf32, #tpu.memory_space<vmem_shared>> -> memref<128x128xf32, #tpu.memory_space<vmem_shared>>
      tpu.enqueue_dma source(%arg10 : memref<128x128xf32, #tpu.memory_space<vmem>>) target(%dma_start3A_52 : memref<128x128xf32, #tpu.memory_space<vmem_shared>>) target_semaphore(%run_scoped3A : memref<!tpu.dma_semaphore, #tpu.memory_space<semaphore_mem>>)
      %dma_wait3A = arith.constant 0 : i32
      %dma_wait3A_53 = tpu.memref_slice %arg7[%add3A_8, %dma_wait3A] : memref<10112x128xf32, #tpu.memory_space<vmem_shared>> -> memref<128x128xf32, #tpu.memory_space<vmem_shared>>
      %dma_wait3A_54 = arith.constant 0 : i32
      %dma_wait3A_55 = tpu.memref_slice %arg7[%add3A_8, %dma_wait3A_54] : memref<10112x128xf32, #tpu.memory_space<vmem_shared>> -> memref<128x128xf32, #tpu.memory_space<vmem_shared>>
      tpu.wait_dma2 semaphore(%run_scoped3A : memref<!tpu.dma_semaphore, #tpu.memory_space<semaphore_mem>>) src(%arg10 : memref<128x128xf32, #tpu.memory_space<vmem>>) dst(%dma_wait3A_55 : memref<128x128xf32, #tpu.memory_space<vmem_shared>>)
      tpu.yield
    }) : () -> ()
    %add3A_9 = arith.constant 384 : i32
    %add3A_10 = arith.addi %mul3A_2, %add3A_9 : i32
    "tpu.region"() ({
      %run_scoped3A = tpu.sem_alloc : memref<!tpu.dma_semaphore, #tpu.memory_space<semaphore_mem>>
      %dma_start3A = arith.constant 0 : i32
      %dma_start3A_50 = tpu.memref_slice %arg7[%add3A_10, %dma_start3A] : memref<10112x128xf32, #tpu.memory_space<vmem_shared>> -> memref<128x128xf32, #tpu.memory_space<vmem_shared>>
      %dma_start3A_51 = arith.constant 0 : i32
      %dma_start3A_52 = tpu.memref_slice %arg7[%add3A_10, %dma_start3A_51] : memref<10112x128xf32, #tpu.memory_space<vmem_shared>> -> memref<128x128xf32, #tpu.memory_space<vmem_shared>>
      tpu.enqueue_dma source(%arg10 : memref<128x128xf32, #tpu.memory_space<vmem>>) target(%dma_start3A_52 : memref<128x128xf32, #tpu.memory_space<vmem_shared>>) target_semaphore(%run_scoped3A : memref<!tpu.dma_semaphore, #tpu.memory_space<semaphore_mem>>)
      %dma_wait3A = arith.constant 0 : i32
      %dma_wait3A_53 = tpu.memref_slice %arg7[%add3A_10, %dma_wait3A] : memref<10112x128xf32, #tpu.memory_space<vmem_shared>> -> memref<128x128xf32, #tpu.memory_space<vmem_shared>>
      %dma_wait3A_54 = arith.constant 0 : i32
      %dma_wait3A_55 = tpu.memref_slice %arg7[%add3A_10, %dma_wait3A_54] : memref<10112x128xf32, #tpu.memory_space<vmem_shared>> -> memref<128x128xf32, #tpu.memory_space<vmem_shared>>
      tpu.wait_dma2 semaphore(%run_scoped3A : memref<!tpu.dma_semaphore, #tpu.memory_space<semaphore_mem>>) src(%arg10 : memref<128x128xf32, #tpu.memory_space<vmem>>) dst(%dma_wait3A_55 : memref<128x128xf32, #tpu.memory_space<vmem_shared>>)
      tpu.yield
    }) : () -> ()
    %add3A_11 = arith.constant 632 : i32
    %add3A_12 = arith.addi %mul3A_2, %add3A_11 : i32
    %sub3A = arith.constant 120 : i32
    %sub3A_13 = arith.subi %add3A_12, %sub3A : i32
    "tpu.region"() ({
      %run_scoped3A = tpu.sem_alloc : memref<!tpu.dma_semaphore, #tpu.memory_space<semaphore_mem>>
      %dma_start3A = arith.constant 0 : i32
      %dma_start3A_50 = arith.constant 0 : i32
      %dma_start3A_51 = tpu.memref_slice %arg10[%dma_start3A, %dma_start3A_50] : memref<128x128xf32, #tpu.memory_space<vmem>> -> memref<120x128xf32, #tpu.memory_space<vmem>>
      %dma_start3A_52 = arith.constant 0 : i32
      %dma_start3A_53 = tpu.memref_slice %arg7[%sub3A_13, %dma_start3A_52] : memref<10112x128xf32, #tpu.memory_space<vmem_shared>> -> memref<120x128xf32, #tpu.memory_space<vmem_shared>>
      %dma_start3A_54 = arith.constant 0 : i32
      %dma_start3A_55 = tpu.memref_slice %arg7[%sub3A_13, %dma_start3A_54] : memref<10112x128xf32, #tpu.memory_space<vmem_shared>> -> memref<120x128xf32, #tpu.memory_space<vmem_shared>>
      %dma_start3A_56 = arith.constant 0 : i32
      %dma_start3A_57 = arith.constant 0 : i32
      %dma_start3A_58 = tpu.memref_slice %arg10[%dma_start3A_56, %dma_start3A_57] : memref<128x128xf32, #tpu.memory_space<vmem>> -> memref<120x128xf32, #tpu.memory_space<vmem>>
      tpu.enqueue_dma source(%dma_start3A_58 : memref<120x128xf32, #tpu.memory_space<vmem>>) target(%dma_start3A_55 : memref<120x128xf32, #tpu.memory_space<vmem_shared>>) target_semaphore(%run_scoped3A : memref<!tpu.dma_semaphore, #tpu.memory_space<semaphore_mem>>)
      %dma_wait3A = arith.constant 0 : i32
      %dma_wait3A_59 = arith.constant 0 : i32
      %dma_wait3A_60 = tpu.memref_slice %arg10[%dma_wait3A, %dma_wait3A_59] : memref<128x128xf32, #tpu.memory_space<vmem>> -> memref<120x128xf32, #tpu.memory_space<vmem>>
      %dma_wait3A_61 = arith.constant 0 : i32
      %dma_wait3A_62 = tpu.memref_slice %arg7[%sub3A_13, %dma_wait3A_61] : memref<10112x128xf32, #tpu.memory_space<vmem_shared>> -> memref<120x128xf32, #tpu.memory_space<vmem_shared>>
      %dma_wait3A_63 = arith.constant 0 : i32
      %dma_wait3A_64 = tpu.memref_slice %arg7[%sub3A_13, %dma_wait3A_63] : memref<10112x128xf32, #tpu.memory_space<vmem_shared>> -> memref<120x128xf32, #tpu.memory_space<vmem_shared>>
      %dma_wait3A_65 = arith.constant 0 : i32
      %dma_wait3A_66 = arith.constant 0 : i32
      %dma_wait3A_67 = tpu.memref_slice %arg10[%dma_wait3A_65, %dma_wait3A_66] : memref<128x128xf32, #tpu.memory_space<vmem>> -> memref<120x128xf32, #tpu.memory_space<vmem>>
      tpu.wait_dma2 semaphore(%run_scoped3A : memref<!tpu.dma_semaphore, #tpu.memory_space<semaphore_mem>>) src(%dma_wait3A_67 : memref<120x128xf32, #tpu.memory_space<vmem>>) dst(%dma_wait3A_64 : memref<120x128xf32, #tpu.memory_space<vmem_shared>>)
      tpu.yield
    }) : () -> ()
    "tpu.region"() ({
      %run_scoped3A = tpu.sem_alloc : memref<!tpu.dma_semaphore, #tpu.memory_space<semaphore_mem>>
      %dma_start3A = arith.constant 0 : i32
      %dma_start3A_50 = arith.constant 0 : i32
      %dma_start3A_51 = tpu.memref_slice %arg4[%add3A, %dma_start3A, %dma_start3A_50] : memref<32x112x128xi32, #tpu.memory_space<hbm>> -> memref<1x112x128xi32, #tpu.memory_space<hbm>>
      %dma_start3A_52 = tpu.memref_squeeze %dma_start3A_51 : memref<1x112x128xi32, #tpu.memory_space<hbm>> -> memref<112x128xi32, #tpu.memory_space<hbm>>
      %dma_start3A_53 = arith.constant 0 : i32
      %dma_start3A_54 = arith.constant 0 : i32
      %dma_start3A_55 = tpu.memref_slice %arg4[%add3A, %dma_start3A_53, %dma_start3A_54] : memref<32x112x128xi32, #tpu.memory_space<hbm>> -> memref<1x112x128xi32, #tpu.memory_space<hbm>>
      %dma_start3A_56 = tpu.memref_squeeze %dma_start3A_55 : memref<1x112x128xi32, #tpu.memory_space<hbm>> -> memref<112x128xi32, #tpu.memory_space<hbm>>
      tpu.enqueue_dma source(%dma_start3A_56 : memref<112x128xi32, #tpu.memory_space<hbm>>) target(%arg8 : memref<112x128xi32, #tpu.memory_space<vmem>>) target_semaphore(%run_scoped3A : memref<!tpu.dma_semaphore, #tpu.memory_space<semaphore_mem>>)
      %dma_wait3A = arith.constant 0 : i32
      %dma_wait3A_57 = arith.constant 0 : i32
      %dma_wait3A_58 = tpu.memref_slice %arg4[%add3A, %dma_wait3A, %dma_wait3A_57] : memref<32x112x128xi32, #tpu.memory_space<hbm>> -> memref<1x112x128xi32, #tpu.memory_space<hbm>>
      %dma_wait3A_59 = tpu.memref_squeeze %dma_wait3A_58 : memref<1x112x128xi32, #tpu.memory_space<hbm>> -> memref<112x128xi32, #tpu.memory_space<hbm>>
      %dma_wait3A_60 = arith.constant 0 : i32
      %dma_wait3A_61 = arith.constant 0 : i32
      %dma_wait3A_62 = tpu.memref_slice %arg4[%add3A, %dma_wait3A_60, %dma_wait3A_61] : memref<32x112x128xi32, #tpu.memory_space<hbm>> -> memref<1x112x128xi32, #tpu.memory_space<hbm>>
      %dma_wait3A_63 = tpu.memref_squeeze %dma_wait3A_62 : memref<1x112x128xi32, #tpu.memory_space<hbm>> -> memref<112x128xi32, #tpu.memory_space<hbm>>
      tpu.wait_dma2 semaphore(%run_scoped3A : memref<!tpu.dma_semaphore, #tpu.memory_space<semaphore_mem>>) src(%dma_wait3A_63 : memref<112x128xi32, #tpu.memory_space<hbm>>) dst(%arg8 : memref<112x128xi32, #tpu.memory_space<vmem>>)
      tpu.yield
    }) : () -> ()
    %barrier3A = arith.constant 0 : index
    tpu.barrier barrier_id(%barrier3A)
    "tpu.region"() ({
      %run_scoped3A = tpu.sem_alloc : memref<!tpu.dma_semaphore, #tpu.memory_space<semaphore_mem>>
      %dma_start3A = arith.constant 0 : i32
      %dma_start3A_50 = arith.constant 0 : i32
      %dma_start3A_51 = tpu.memref_slice %arg3[%add3A, %dma_start3A, %dma_start3A_50] : memref<32x112x128xi32, #tpu.memory_space<hbm>> -> memref<1x112x128xi32, #tpu.memory_space<hbm>>
      %dma_start3A_52 = tpu.memref_squeeze %dma_start3A_51 : memref<1x112x128xi32, #tpu.memory_space<hbm>> -> memref<112x128xi32, #tpu.memory_space<hbm>>
      %dma_start3A_53 = arith.constant 0 : i32
      %dma_start3A_54 = arith.constant 0 : i32
      %dma_start3A_55 = tpu.memref_slice %arg3[%add3A, %dma_start3A_53, %dma_start3A_54] : memref<32x112x128xi32, #tpu.memory_space<hbm>> -> memref<1x112x128xi32, #tpu.memory_space<hbm>>
      %dma_start3A_56 = tpu.memref_squeeze %dma_start3A_55 : memref<1x112x128xi32, #tpu.memory_space<hbm>> -> memref<112x128xi32, #tpu.memory_space<hbm>>
      tpu.enqueue_dma source(%dma_start3A_56 : memref<112x128xi32, #tpu.memory_space<hbm>>) target(%arg9 : memref<112x128xi32, #tpu.memory_space<vmem>>) target_semaphore(%run_scoped3A : memref<!tpu.dma_semaphore, #tpu.memory_space<semaphore_mem>>)
      %dma_wait3A = arith.constant 0 : i32
      %dma_wait3A_57 = arith.constant 0 : i32
      %dma_wait3A_58 = tpu.memref_slice %arg3[%add3A, %dma_wait3A, %dma_wait3A_57] : memref<32x112x128xi32, #tpu.memory_space<hbm>> -> memref<1x112x128xi32, #tpu.memory_space<hbm>>
      %dma_wait3A_59 = tpu.memref_squeeze %dma_wait3A_58 : memref<1x112x128xi32, #tpu.memory_space<hbm>> -> memref<112x128xi32, #tpu.memory_space<hbm>>
      %dma_wait3A_60 = arith.constant 0 : i32
      %dma_wait3A_61 = arith.constant 0 : i32
      %dma_wait3A_62 = tpu.memref_slice %arg3[%add3A, %dma_wait3A_60, %dma_wait3A_61] : memref<32x112x128xi32, #tpu.memory_space<hbm>> -> memref<1x112x128xi32, #tpu.memory_space<hbm>>
      %dma_wait3A_63 = tpu.memref_squeeze %dma_wait3A_62 : memref<1x112x128xi32, #tpu.memory_space<hbm>> -> memref<112x128xi32, #tpu.memory_space<hbm>>
      tpu.wait_dma2 semaphore(%run_scoped3A : memref<!tpu.dma_semaphore, #tpu.memory_space<semaphore_mem>>) src(%dma_wait3A_63 : memref<112x128xi32, #tpu.memory_space<hbm>>) dst(%arg9 : memref<112x128xi32, #tpu.memory_space<vmem>>)
      tpu.yield
    }) : () -> ()
    %eq3A = arith.constant 0 : i32
    %eq3A_14 = arith.cmpi eq, %arg0, %eq3A : i32
    %jit3A = arith.constant 112 : i32
    %jit3A_15 = arith.constant 46 : i32
    %select_n3A = arith.select %eq3A_14, %jit3A, %jit3A_15 : i32
    %while3A = arith.constant 0 : i32
    %while3A_16 = arith.constant 0 : i32
    %while3A_17 = arith.subi %select_n3A, %while3A_16 : i32
    %while3A_18 = arith.addi %while3A_16, %while3A_17 : i32
    %while3A_19 = arith.constant 1 : i32
    %while3A_20 = arith.divsi %while3A_17, %while3A_19 : i32
    %while3A_21 = arith.muli %while3A_20, %while3A_19 : i32
    %while3A_22 = arith.addi %while3A_16, %while3A_21 : i32
    %while3A_23 = arith.constant 1 : i32
    scf.for %while3A_50 = %while3A_16 to %while3A_22 step %while3A_23  : i32 {
      "tpu.region"() ({
        %run_scoped3A = tpu.sem_alloc : memref<!tpu.dma_semaphore, #tpu.memory_space<semaphore_mem>>
        %dma_start3A = arith.constant 0 : i32
        %dma_start3A_51 = tpu.memref_slice %arg9[%while3A_50, %dma_start3A] : memref<112x128xi32, #tpu.memory_space<vmem>> -> memref<1x128xi32, #tpu.memory_space<vmem>>
        %dma_start3A_52 = tpu.memref_squeeze %dma_start3A_51 : memref<1x128xi32, #tpu.memory_space<vmem>> -> memref<128xi32, #tpu.memory_space<vmem>>
        %dma_start3A_53 = arith.constant 0 : i32
        %dma_start3A_54 = arith.constant 0 : i32
        %dma_start3A_55 = tpu.memref_slice %arg2[%dma_start3A_53, %dma_start3A_54] : memref<10000x128xf32, #tpu.memory_space<hbm>> -> memref<10000x128xf32, #tpu.memory_space<hbm>>
        tpu.enqueue_indirect_dma source(%dma_start3A_55 : memref<10000x128xf32, #tpu.memory_space<hbm>>) target(%arg10 : memref<128x128xf32, #tpu.memory_space<vmem>>) offsets(%dma_start3A_52 : memref<128xi32, #tpu.memory_space<vmem>>) semaphore(%run_scoped3A : memref<!tpu.dma_semaphore, #tpu.memory_space<semaphore_mem>>)
        %dma_wait3A = arith.constant 0 : i32
        %dma_wait3A_56 = tpu.memref_slice %arg9[%while3A_50, %dma_wait3A] : memref<112x128xi32, #tpu.memory_space<vmem>> -> memref<1x128xi32, #tpu.memory_space<vmem>>
        %dma_wait3A_57 = tpu.memref_squeeze %dma_wait3A_56 : memref<1x128xi32, #tpu.memory_space<vmem>> -> memref<128xi32, #tpu.memory_space<vmem>>
        %dma_wait3A_58 = arith.constant 0 : i32
        %dma_wait3A_59 = arith.constant 0 : i32
        %dma_wait3A_60 = tpu.memref_slice %arg2[%dma_wait3A_58, %dma_wait3A_59] : memref<10000x128xf32, #tpu.memory_space<hbm>> -> memref<10000x128xf32, #tpu.memory_space<hbm>>
        tpu.wait_indirect_dma semaphore(%run_scoped3A : memref<!tpu.dma_semaphore, #tpu.memory_space<semaphore_mem>>) src(%dma_wait3A_60 : memref<10000x128xf32, #tpu.memory_space<hbm>>) dst(%arg10 : memref<128x128xf32, #tpu.memory_space<vmem>>)
        tpu.yield
      }) : () -> ()
      "tpu.region"() ({
        %run_scoped3A = tpu.sem_alloc : memref<!tpu.dma_semaphore, #tpu.memory_space<semaphore_mem>>
        %dma_start3A = arith.constant 0 : i32
        %dma_start3A_51 = tpu.memref_slice %arg8[%while3A_50, %dma_start3A] : memref<112x128xi32, #tpu.memory_space<vmem>> -> memref<1x128xi32, #tpu.memory_space<vmem>>
        %dma_start3A_52 = tpu.memref_squeeze %dma_start3A_51 : memref<1x128xi32, #tpu.memory_space<vmem>> -> memref<128xi32, #tpu.memory_space<vmem>>
        %dma_start3A_53 = arith.constant 0 : i32
        %dma_start3A_54 = arith.constant 0 : i32
        %dma_start3A_55 = tpu.memref_slice %arg7[%dma_start3A_53, %dma_start3A_54] : memref<10112x128xf32, #tpu.memory_space<vmem_shared>> -> memref<10112x128xf32, #tpu.memory_space<vmem_shared>>
        tpu.enqueue_indirect_dma source(%arg10 : memref<128x128xf32, #tpu.memory_space<vmem>>) target(%dma_start3A_55 : memref<10112x128xf32, #tpu.memory_space<vmem_shared>>) offsets(%dma_start3A_52 : memref<128xi32, #tpu.memory_space<vmem>>) semaphore(%run_scoped3A : memref<!tpu.dma_semaphore, #tpu.memory_space<semaphore_mem>>) {add = true}
        %dma_wait3A = arith.constant 0 : i32
        %dma_wait3A_56 = tpu.memref_slice %arg8[%while3A_50, %dma_wait3A] : memref<112x128xi32, #tpu.memory_space<vmem>> -> memref<1x128xi32, #tpu.memory_space<vmem>>
        %dma_wait3A_57 = tpu.memref_squeeze %dma_wait3A_56 : memref<1x128xi32, #tpu.memory_space<vmem>> -> memref<128xi32, #tpu.memory_space<vmem>>
        %dma_wait3A_58 = arith.constant 0 : i32
        %dma_wait3A_59 = arith.constant 0 : i32
        %dma_wait3A_60 = tpu.memref_slice %arg7[%dma_wait3A_58, %dma_wait3A_59] : memref<10112x128xf32, #tpu.memory_space<vmem_shared>> -> memref<10112x128xf32, #tpu.memory_space<vmem_shared>>
        tpu.wait_indirect_dma semaphore(%run_scoped3A : memref<!tpu.dma_semaphore, #tpu.memory_space<semaphore_mem>>) src(%arg10 : memref<128x128xf32, #tpu.memory_space<vmem>>) dst(%dma_wait3A_60 : memref<10112x128xf32, #tpu.memory_space<vmem_shared>>)
        tpu.yield
      }) : () -> ()
    }
    %while3A_24 = arith.constant 1 : i32
    scf.for %while3A_50 = %while3A_22 to %while3A_18 step %while3A_24  : i32 {
      "tpu.region"() ({
        %run_scoped3A = tpu.sem_alloc : memref<!tpu.dma_semaphore, #tpu.memory_space<semaphore_mem>>
        %dma_start3A = arith.constant 0 : i32
        %dma_start3A_51 = tpu.memref_slice %arg9[%while3A_50, %dma_start3A] : memref<112x128xi32, #tpu.memory_space<vmem>> -> memref<1x128xi32, #tpu.memory_space<vmem>>
        %dma_start3A_52 = tpu.memref_squeeze %dma_start3A_51 : memref<1x128xi32, #tpu.memory_space<vmem>> -> memref<128xi32, #tpu.memory_space<vmem>>
        %dma_start3A_53 = arith.constant 0 : i32
        %dma_start3A_54 = arith.constant 0 : i32
        %dma_start3A_55 = tpu.memref_slice %arg2[%dma_start3A_53, %dma_start3A_54] : memref<10000x128xf32, #tpu.memory_space<hbm>> -> memref<10000x128xf32, #tpu.memory_space<hbm>>
        tpu.enqueue_indirect_dma source(%dma_start3A_55 : memref<10000x128xf32, #tpu.memory_space<hbm>>) target(%arg10 : memref<128x128xf32, #tpu.memory_space<vmem>>) offsets(%dma_start3A_52 : memref<128xi32, #tpu.memory_space<vmem>>) semaphore(%run_scoped3A : memref<!tpu.dma_semaphore, #tpu.memory_space<semaphore_mem>>)
        %dma_wait3A = arith.constant 0 : i32
        %dma_wait3A_56 = tpu.memref_slice %arg9[%while3A_50, %dma_wait3A] : memref<112x128xi32, #tpu.memory_space<vmem>> -> memref<1x128xi32, #tpu.memory_space<vmem>>
        %dma_wait3A_57 = tpu.memref_squeeze %dma_wait3A_56 : memref<1x128xi32, #tpu.memory_space<vmem>> -> memref<128xi32, #tpu.memory_space<vmem>>
        %dma_wait3A_58 = arith.constant 0 : i32
        %dma_wait3A_59 = arith.constant 0 : i32
        %dma_wait3A_60 = tpu.memref_slice %arg2[%dma_wait3A_58, %dma_wait3A_59] : memref<10000x128xf32, #tpu.memory_space<hbm>> -> memref<10000x128xf32, #tpu.memory_space<hbm>>
        tpu.wait_indirect_dma semaphore(%run_scoped3A : memref<!tpu.dma_semaphore, #tpu.memory_space<semaphore_mem>>) src(%dma_wait3A_60 : memref<10000x128xf32, #tpu.memory_space<hbm>>) dst(%arg10 : memref<128x128xf32, #tpu.memory_space<vmem>>)
        tpu.yield
      }) : () -> ()
      "tpu.region"() ({
        %run_scoped3A = tpu.sem_alloc : memref<!tpu.dma_semaphore, #tpu.memory_space<semaphore_mem>>
        %dma_start3A = arith.constant 0 : i32
        %dma_start3A_51 = tpu.memref_slice %arg8[%while3A_50, %dma_start3A] : memref<112x128xi32, #tpu.memory_space<vmem>> -> memref<1x128xi32, #tpu.memory_space<vmem>>
        %dma_start3A_52 = tpu.memref_squeeze %dma_start3A_51 : memref<1x128xi32, #tpu.memory_space<vmem>> -> memref<128xi32, #tpu.memory_space<vmem>>
        %dma_start3A_53 = arith.constant 0 : i32
        %dma_start3A_54 = arith.constant 0 : i32
        %dma_start3A_55 = tpu.memref_slice %arg7[%dma_start3A_53, %dma_start3A_54] : memref<10112x128xf32, #tpu.memory_space<vmem_shared>> -> memref<10112x128xf32, #tpu.memory_space<vmem_shared>>
        tpu.enqueue_indirect_dma source(%arg10 : memref<128x128xf32, #tpu.memory_space<vmem>>) target(%dma_start3A_55 : memref<10112x128xf32, #tpu.memory_space<vmem_shared>>) offsets(%dma_start3A_52 : memref<128xi32, #tpu.memory_space<vmem>>) semaphore(%run_scoped3A : memref<!tpu.dma_semaphore, #tpu.memory_space<semaphore_mem>>) {add = true}
        %dma_wait3A = arith.constant 0 : i32
        %dma_wait3A_56 = tpu.memref_slice %arg8[%while3A_50, %dma_wait3A] : memref<112x128xi32, #tpu.memory_space<vmem>> -> memref<1x128xi32, #tpu.memory_space<vmem>>
        %dma_wait3A_57 = tpu.memref_squeeze %dma_wait3A_56 : memref<1x128xi32, #tpu.memory_space<vmem>> -> memref<128xi32, #tpu.memory_space<vmem>>
        %dma_wait3A_58 = arith.constant 0 : i32
        %dma_wait3A_59 = arith.constant 0 : i32
        %dma_wait3A_60 = tpu.memref_slice %arg7[%dma_wait3A_58, %dma_wait3A_59] : memref<10112x128xf32, #tpu.memory_space<vmem_shared>> -> memref<10112x128xf32, #tpu.memory_space<vmem_shared>>
        tpu.wait_indirect_dma semaphore(%run_scoped3A : memref<!tpu.dma_semaphore, #tpu.memory_space<semaphore_mem>>) src(%arg10 : memref<128x128xf32, #tpu.memory_space<vmem>>) dst(%dma_wait3A_60 : memref<10112x128xf32, #tpu.memory_space<vmem_shared>>)
        tpu.yield
      }) : () -> ()
    }
    %barrier3A_25 = arith.constant 0 : index
    tpu.barrier barrier_id(%barrier3A_25)
    %add3A_26 = arith.constant 0 : i32
    %add3A_27 = arith.addi %mul3A_2, %add3A_26 : i32
    "tpu.region"() ({
      %run_scoped3A = tpu.sem_alloc : memref<!tpu.dma_semaphore, #tpu.memory_space<semaphore_mem>>
      %dma_start3A = arith.constant 0 : i32
      %dma_start3A_50 = tpu.memref_slice %arg7[%add3A_27, %dma_start3A] : memref<10112x128xf32, #tpu.memory_space<vmem_shared>> -> memref<128x128xf32, #tpu.memory_space<vmem_shared>>
      %dma_start3A_51 = arith.constant 0 : i32
      %dma_start3A_52 = tpu.memref_slice %arg7[%add3A_27, %dma_start3A_51] : memref<10112x128xf32, #tpu.memory_space<vmem_shared>> -> memref<128x128xf32, #tpu.memory_space<vmem_shared>>
      tpu.enqueue_dma source(%dma_start3A_52 : memref<128x128xf32, #tpu.memory_space<vmem_shared>>) target(%arg10 : memref<128x128xf32, #tpu.memory_space<vmem>>) target_semaphore(%run_scoped3A : memref<!tpu.dma_semaphore, #tpu.memory_space<semaphore_mem>>)
      %dma_wait3A = arith.constant 0 : i32
      %dma_wait3A_53 = tpu.memref_slice %arg7[%add3A_27, %dma_wait3A] : memref<10112x128xf32, #tpu.memory_space<vmem_shared>> -> memref<128x128xf32, #tpu.memory_space<vmem_shared>>
      %dma_wait3A_54 = arith.constant 0 : i32
      %dma_wait3A_55 = tpu.memref_slice %arg7[%add3A_27, %dma_wait3A_54] : memref<10112x128xf32, #tpu.memory_space<vmem_shared>> -> memref<128x128xf32, #tpu.memory_space<vmem_shared>>
      tpu.wait_dma2 semaphore(%run_scoped3A : memref<!tpu.dma_semaphore, #tpu.memory_space<semaphore_mem>>) src(%dma_wait3A_55 : memref<128x128xf32, #tpu.memory_space<vmem_shared>>) dst(%arg10 : memref<128x128xf32, #tpu.memory_space<vmem>>)
      tpu.yield
    }) : () -> ()
    %add3A_28 = arith.constant 0 : i32
    %add3A_29 = arith.addi %mul3A_2, %add3A_28 : i32
    "tpu.region"() ({
      %run_scoped3A = tpu.sem_alloc : memref<!tpu.dma_semaphore, #tpu.memory_space<semaphore_mem>>
      %dma_start3A = arith.constant 0 : i32
      %dma_start3A_50 = tpu.memref_slice %arg6[%arg0, %add3A_29, %dma_start3A] : memref<2x10112x128xf32, #tpu.memory_space<hbm>> -> memref<1x128x128xf32, #tpu.memory_space<hbm>>
      %dma_start3A_51 = tpu.memref_squeeze %dma_start3A_50 : memref<1x128x128xf32, #tpu.memory_space<hbm>> -> memref<128x128xf32, #tpu.memory_space<hbm>>
      %dma_start3A_52 = arith.constant 0 : i32
      %dma_start3A_53 = tpu.memref_slice %arg6[%arg0, %add3A_29, %dma_start3A_52] : memref<2x10112x128xf32, #tpu.memory_space<hbm>> -> memref<1x128x128xf32, #tpu.memory_space<hbm>>
      %dma_start3A_54 = tpu.memref_squeeze %dma_start3A_53 : memref<1x128x128xf32, #tpu.memory_space<hbm>> -> memref<128x128xf32, #tpu.memory_space<hbm>>
      tpu.enqueue_dma source(%arg10 : memref<128x128xf32, #tpu.memory_space<vmem>>) target(%dma_start3A_54 : memref<128x128xf32, #tpu.memory_space<hbm>>) target_semaphore(%run_scoped3A : memref<!tpu.dma_semaphore, #tpu.memory_space<semaphore_mem>>)
      %dma_wait3A = arith.constant 0 : i32
      %dma_wait3A_55 = tpu.memref_slice %arg6[%arg0, %add3A_29, %dma_wait3A] : memref<2x10112x128xf32, #tpu.memory_space<hbm>> -> memref<1x128x128xf32, #tpu.memory_space<hbm>>
      %dma_wait3A_56 = tpu.memref_squeeze %dma_wait3A_55 : memref<1x128x128xf32, #tpu.memory_space<hbm>> -> memref<128x128xf32, #tpu.memory_space<hbm>>
      %dma_wait3A_57 = arith.constant 0 : i32
      %dma_wait3A_58 = tpu.memref_slice %arg6[%arg0, %add3A_29, %dma_wait3A_57] : memref<2x10112x128xf32, #tpu.memory_space<hbm>> -> memref<1x128x128xf32, #tpu.memory_space<hbm>>
      %dma_wait3A_59 = tpu.memref_squeeze %dma_wait3A_58 : memref<1x128x128xf32, #tpu.memory_space<hbm>> -> memref<128x128xf32, #tpu.memory_space<hbm>>
      tpu.wait_dma2 semaphore(%run_scoped3A : memref<!tpu.dma_semaphore, #tpu.memory_space<semaphore_mem>>) src(%arg10 : memref<128x128xf32, #tpu.memory_space<vmem>>) dst(%dma_wait3A_59 : memref<128x128xf32, #tpu.memory_space<hbm>>)
      tpu.yield
    }) : () -> ()
    %add3A_30 = arith.constant 128 : i32
    %add3A_31 = arith.addi %mul3A_2, %add3A_30 : i32
    "tpu.region"() ({
      %run_scoped3A = tpu.sem_alloc : memref<!tpu.dma_semaphore, #tpu.memory_space<semaphore_mem>>
      %dma_start3A = arith.constant 0 : i32
      %dma_start3A_50 = tpu.memref_slice %arg7[%add3A_31, %dma_start3A] : memref<10112x128xf32, #tpu.memory_space<vmem_shared>> -> memref<128x128xf32, #tpu.memory_space<vmem_shared>>
      %dma_start3A_51 = arith.constant 0 : i32
      %dma_start3A_52 = tpu.memref_slice %arg7[%add3A_31, %dma_start3A_51] : memref<10112x128xf32, #tpu.memory_space<vmem_shared>> -> memref<128x128xf32, #tpu.memory_space<vmem_shared>>
      tpu.enqueue_dma source(%dma_start3A_52 : memref<128x128xf32, #tpu.memory_space<vmem_shared>>) target(%arg10 : memref<128x128xf32, #tpu.memory_space<vmem>>) target_semaphore(%run_scoped3A : memref<!tpu.dma_semaphore, #tpu.memory_space<semaphore_mem>>)
      %dma_wait3A = arith.constant 0 : i32
      %dma_wait3A_53 = tpu.memref_slice %arg7[%add3A_31, %dma_wait3A] : memref<10112x128xf32, #tpu.memory_space<vmem_shared>> -> memref<128x128xf32, #tpu.memory_space<vmem_shared>>
      %dma_wait3A_54 = arith.constant 0 : i32
      %dma_wait3A_55 = tpu.memref_slice %arg7[%add3A_31, %dma_wait3A_54] : memref<10112x128xf32, #tpu.memory_space<vmem_shared>> -> memref<128x128xf32, #tpu.memory_space<vmem_shared>>
      tpu.wait_dma2 semaphore(%run_scoped3A : memref<!tpu.dma_semaphore, #tpu.memory_space<semaphore_mem>>) src(%dma_wait3A_55 : memref<128x128xf32, #tpu.memory_space<vmem_shared>>) dst(%arg10 : memref<128x128xf32, #tpu.memory_space<vmem>>)
      tpu.yield
    }) : () -> ()
    %add3A_32 = arith.constant 128 : i32
    %add3A_33 = arith.addi %mul3A_2, %add3A_32 : i32
    "tpu.region"() ({
      %run_scoped3A = tpu.sem_alloc : memref<!tpu.dma_semaphore, #tpu.memory_space<semaphore_mem>>
      %dma_start3A = arith.constant 0 : i32
      %dma_start3A_50 = tpu.memref_slice %arg6[%arg0, %add3A_33, %dma_start3A] : memref<2x10112x128xf32, #tpu.memory_space<hbm>> -> memref<1x128x128xf32, #tpu.memory_space<hbm>>
      %dma_start3A_51 = tpu.memref_squeeze %dma_start3A_50 : memref<1x128x128xf32, #tpu.memory_space<hbm>> -> memref<128x128xf32, #tpu.memory_space<hbm>>
      %dma_start3A_52 = arith.constant 0 : i32
      %dma_start3A_53 = tpu.memref_slice %arg6[%arg0, %add3A_33, %dma_start3A_52] : memref<2x10112x128xf32, #tpu.memory_space<hbm>> -> memref<1x128x128xf32, #tpu.memory_space<hbm>>
      %dma_start3A_54 = tpu.memref_squeeze %dma_start3A_53 : memref<1x128x128xf32, #tpu.memory_space<hbm>> -> memref<128x128xf32, #tpu.memory_space<hbm>>
      tpu.enqueue_dma source(%arg10 : memref<128x128xf32, #tpu.memory_space<vmem>>) target(%dma_start3A_54 : memref<128x128xf32, #tpu.memory_space<hbm>>) target_semaphore(%run_scoped3A : memref<!tpu.dma_semaphore, #tpu.memory_space<semaphore_mem>>)
      %dma_wait3A = arith.constant 0 : i32
      %dma_wait3A_55 = tpu.memref_slice %arg6[%arg0, %add3A_33, %dma_wait3A] : memref<2x10112x128xf32, #tpu.memory_space<hbm>> -> memref<1x128x128xf32, #tpu.memory_space<hbm>>
      %dma_wait3A_56 = tpu.memref_squeeze %dma_wait3A_55 : memref<1x128x128xf32, #tpu.memory_space<hbm>> -> memref<128x128xf32, #tpu.memory_space<hbm>>
      %dma_wait3A_57 = arith.constant 0 : i32
      %dma_wait3A_58 = tpu.memref_slice %arg6[%arg0, %add3A_33, %dma_wait3A_57] : memref<2x10112x128xf32, #tpu.memory_space<hbm>> -> memref<1x128x128xf32, #tpu.memory_space<hbm>>
      %dma_wait3A_59 = tpu.memref_squeeze %dma_wait3A_58 : memref<1x128x128xf32, #tpu.memory_space<hbm>> -> memref<128x128xf32, #tpu.memory_space<hbm>>
      tpu.wait_dma2 semaphore(%run_scoped3A : memref<!tpu.dma_semaphore, #tpu.memory_space<semaphore_mem>>) src(%arg10 : memref<128x128xf32, #tpu.memory_space<vmem>>) dst(%dma_wait3A_59 : memref<128x128xf32, #tpu.memory_space<hbm>>)
      tpu.yield
    }) : () -> ()
    %add3A_34 = arith.constant 256 : i32
    %add3A_35 = arith.addi %mul3A_2, %add3A_34 : i32
    "tpu.region"() ({
      %run_scoped3A = tpu.sem_alloc : memref<!tpu.dma_semaphore, #tpu.memory_space<semaphore_mem>>
      %dma_start3A = arith.constant 0 : i32
      %dma_start3A_50 = tpu.memref_slice %arg7[%add3A_35, %dma_start3A] : memref<10112x128xf32, #tpu.memory_space<vmem_shared>> -> memref<128x128xf32, #tpu.memory_space<vmem_shared>>
      %dma_start3A_51 = arith.constant 0 : i32
      %dma_start3A_52 = tpu.memref_slice %arg7[%add3A_35, %dma_start3A_51] : memref<10112x128xf32, #tpu.memory_space<vmem_shared>> -> memref<128x128xf32, #tpu.memory_space<vmem_shared>>
      tpu.enqueue_dma source(%dma_start3A_52 : memref<128x128xf32, #tpu.memory_space<vmem_shared>>) target(%arg10 : memref<128x128xf32, #tpu.memory_space<vmem>>) target_semaphore(%run_scoped3A : memref<!tpu.dma_semaphore, #tpu.memory_space<semaphore_mem>>)
      %dma_wait3A = arith.constant 0 : i32
      %dma_wait3A_53 = tpu.memref_slice %arg7[%add3A_35, %dma_wait3A] : memref<10112x128xf32, #tpu.memory_space<vmem_shared>> -> memref<128x128xf32, #tpu.memory_space<vmem_shared>>
      %dma_wait3A_54 = arith.constant 0 : i32
      %dma_wait3A_55 = tpu.memref_slice %arg7[%add3A_35, %dma_wait3A_54] : memref<10112x128xf32, #tpu.memory_space<vmem_shared>> -> memref<128x128xf32, #tpu.memory_space<vmem_shared>>
      tpu.wait_dma2 semaphore(%run_scoped3A : memref<!tpu.dma_semaphore, #tpu.memory_space<semaphore_mem>>) src(%dma_wait3A_55 : memref<128x128xf32, #tpu.memory_space<vmem_shared>>) dst(%arg10 : memref<128x128xf32, #tpu.memory_space<vmem>>)
      tpu.yield
    }) : () -> ()
    %add3A_36 = arith.constant 256 : i32
    %add3A_37 = arith.addi %mul3A_2, %add3A_36 : i32
    "tpu.region"() ({
      %run_scoped3A = tpu.sem_alloc : memref<!tpu.dma_semaphore, #tpu.memory_space<semaphore_mem>>
      %dma_start3A = arith.constant 0 : i32
      %dma_start3A_50 = tpu.memref_slice %arg6[%arg0, %add3A_37, %dma_start3A] : memref<2x10112x128xf32, #tpu.memory_space<hbm>> -> memref<1x128x128xf32, #tpu.memory_space<hbm>>
      %dma_start3A_51 = tpu.memref_squeeze %dma_start3A_50 : memref<1x128x128xf32, #tpu.memory_space<hbm>> -> memref<128x128xf32, #tpu.memory_space<hbm>>
      %dma_start3A_52 = arith.constant 0 : i32
      %dma_start3A_53 = tpu.memref_slice %arg6[%arg0, %add3A_37, %dma_start3A_52] : memref<2x10112x128xf32, #tpu.memory_space<hbm>> -> memref<1x128x128xf32, #tpu.memory_space<hbm>>
      %dma_start3A_54 = tpu.memref_squeeze %dma_start3A_53 : memref<1x128x128xf32, #tpu.memory_space<hbm>> -> memref<128x128xf32, #tpu.memory_space<hbm>>
      tpu.enqueue_dma source(%arg10 : memref<128x128xf32, #tpu.memory_space<vmem>>) target(%dma_start3A_54 : memref<128x128xf32, #tpu.memory_space<hbm>>) target_semaphore(%run_scoped3A : memref<!tpu.dma_semaphore, #tpu.memory_space<semaphore_mem>>)
      %dma_wait3A = arith.constant 0 : i32
      %dma_wait3A_55 = tpu.memref_slice %arg6[%arg0, %add3A_37, %dma_wait3A] : memref<2x10112x128xf32, #tpu.memory_space<hbm>> -> memref<1x128x128xf32, #tpu.memory_space<hbm>>
      %dma_wait3A_56 = tpu.memref_squeeze %dma_wait3A_55 : memref<1x128x128xf32, #tpu.memory_space<hbm>> -> memref<128x128xf32, #tpu.memory_space<hbm>>
      %dma_wait3A_57 = arith.constant 0 : i32
      %dma_wait3A_58 = tpu.memref_slice %arg6[%arg0, %add3A_37, %dma_wait3A_57] : memref<2x10112x128xf32, #tpu.memory_space<hbm>> -> memref<1x128x128xf32, #tpu.memory_space<hbm>>
      %dma_wait3A_59 = tpu.memref_squeeze %dma_wait3A_58 : memref<1x128x128xf32, #tpu.memory_space<hbm>> -> memref<128x128xf32, #tpu.memory_space<hbm>>
      tpu.wait_dma2 semaphore(%run_scoped3A : memref<!tpu.dma_semaphore, #tpu.memory_space<semaphore_mem>>) src(%arg10 : memref<128x128xf32, #tpu.memory_space<vmem>>) dst(%dma_wait3A_59 : memref<128x128xf32, #tpu.memory_space<hbm>>)
      tpu.yield
    }) : () -> ()
    %add3A_38 = arith.constant 384 : i32
    %add3A_39 = arith.addi %mul3A_2, %add3A_38 : i32
    "tpu.region"() ({
      %run_scoped3A = tpu.sem_alloc : memref<!tpu.dma_semaphore, #tpu.memory_space<semaphore_mem>>
      %dma_start3A = arith.constant 0 : i32
      %dma_start3A_50 = tpu.memref_slice %arg7[%add3A_39, %dma_start3A] : memref<10112x128xf32, #tpu.memory_space<vmem_shared>> -> memref<128x128xf32, #tpu.memory_space<vmem_shared>>
      %dma_start3A_51 = arith.constant 0 : i32
      %dma_start3A_52 = tpu.memref_slice %arg7[%add3A_39, %dma_start3A_51] : memref<10112x128xf32, #tpu.memory_space<vmem_shared>> -> memref<128x128xf32, #tpu.memory_space<vmem_shared>>
      tpu.enqueue_dma source(%dma_start3A_52 : memref<128x128xf32, #tpu.memory_space<vmem_shared>>) target(%arg10 : memref<128x128xf32, #tpu.memory_space<vmem>>) target_semaphore(%run_scoped3A : memref<!tpu.dma_semaphore, #tpu.memory_space<semaphore_mem>>)
      %dma_wait3A = arith.constant 0 : i32
      %dma_wait3A_53 = tpu.memref_slice %arg7[%add3A_39, %dma_wait3A] : memref<10112x128xf32, #tpu.memory_space<vmem_shared>> -> memref<128x128xf32, #tpu.memory_space<vmem_shared>>
      %dma_wait3A_54 = arith.constant 0 : i32
      %dma_wait3A_55 = tpu.memref_slice %arg7[%add3A_39, %dma_wait3A_54] : memref<10112x128xf32, #tpu.memory_space<vmem_shared>> -> memref<128x128xf32, #tpu.memory_space<vmem_shared>>
      tpu.wait_dma2 semaphore(%run_scoped3A : memref<!tpu.dma_semaphore, #tpu.memory_space<semaphore_mem>>) src(%dma_wait3A_55 : memref<128x128xf32, #tpu.memory_space<vmem_shared>>) dst(%arg10 : memref<128x128xf32, #tpu.memory_space<vmem>>)
      tpu.yield
    }) : () -> ()
    %add3A_40 = arith.constant 384 : i32
    %add3A_41 = arith.addi %mul3A_2, %add3A_40 : i32
    "tpu.region"() ({
      %run_scoped3A = tpu.sem_alloc : memref<!tpu.dma_semaphore, #tpu.memory_space<semaphore_mem>>
      %dma_start3A = arith.constant 0 : i32
      %dma_start3A_50 = tpu.memref_slice %arg6[%arg0, %add3A_41, %dma_start3A] : memref<2x10112x128xf32, #tpu.memory_space<hbm>> -> memref<1x128x128xf32, #tpu.memory_space<hbm>>
      %dma_start3A_51 = tpu.memref_squeeze %dma_start3A_50 : memref<1x128x128xf32, #tpu.memory_space<hbm>> -> memref<128x128xf32, #tpu.memory_space<hbm>>
      %dma_start3A_52 = arith.constant 0 : i32
      %dma_start3A_53 = tpu.memref_slice %arg6[%arg0, %add3A_41, %dma_start3A_52] : memref<2x10112x128xf32, #tpu.memory_space<hbm>> -> memref<1x128x128xf32, #tpu.memory_space<hbm>>
      %dma_start3A_54 = tpu.memref_squeeze %dma_start3A_53 : memref<1x128x128xf32, #tpu.memory_space<hbm>> -> memref<128x128xf32, #tpu.memory_space<hbm>>
      tpu.enqueue_dma source(%arg10 : memref<128x128xf32, #tpu.memory_space<vmem>>) target(%dma_start3A_54 : memref<128x128xf32, #tpu.memory_space<hbm>>) target_semaphore(%run_scoped3A : memref<!tpu.dma_semaphore, #tpu.memory_space<semaphore_mem>>)
      %dma_wait3A = arith.constant 0 : i32
      %dma_wait3A_55 = tpu.memref_slice %arg6[%arg0, %add3A_41, %dma_wait3A] : memref<2x10112x128xf32, #tpu.memory_space<hbm>> -> memref<1x128x128xf32, #tpu.memory_space<hbm>>
      %dma_wait3A_56 = tpu.memref_squeeze %dma_wait3A_55 : memref<1x128x128xf32, #tpu.memory_space<hbm>> -> memref<128x128xf32, #tpu.memory_space<hbm>>
      %dma_wait3A_57 = arith.constant 0 : i32
      %dma_wait3A_58 = tpu.memref_slice %arg6[%arg0, %add3A_41, %dma_wait3A_57] : memref<2x10112x128xf32, #tpu.memory_space<hbm>> -> memref<1x128x128xf32, #tpu.memory_space<hbm>>
      %dma_wait3A_59 = tpu.memref_squeeze %dma_wait3A_58 : memref<1x128x128xf32, #tpu.memory_space<hbm>> -> memref<128x128xf32, #tpu.memory_space<hbm>>
      tpu.wait_dma2 semaphore(%run_scoped3A : memref<!tpu.dma_semaphore, #tpu.memory_space<semaphore_mem>>) src(%arg10 : memref<128x128xf32, #tpu.memory_space<vmem>>) dst(%dma_wait3A_59 : memref<128x128xf32, #tpu.memory_space<hbm>>)
      tpu.yield
    }) : () -> ()
    %add3A_42 = arith.constant 632 : i32
    %add3A_43 = arith.addi %mul3A_2, %add3A_42 : i32
    %sub3A_44 = arith.constant 120 : i32
    %sub3A_45 = arith.subi %add3A_43, %sub3A_44 : i32
    "tpu.region"() ({
      %run_scoped3A = tpu.sem_alloc : memref<!tpu.dma_semaphore, #tpu.memory_space<semaphore_mem>>
      %dma_start3A = arith.constant 0 : i32
      %dma_start3A_50 = arith.constant 0 : i32
      %dma_start3A_51 = tpu.memref_slice %arg10[%dma_start3A, %dma_start3A_50] : memref<128x128xf32, #tpu.memory_space<vmem>> -> memref<120x128xf32, #tpu.memory_space<vmem>>
      %dma_start3A_52 = arith.constant 0 : i32
      %dma_start3A_53 = tpu.memref_slice %arg7[%sub3A_45, %dma_start3A_52] : memref<10112x128xf32, #tpu.memory_space<vmem_shared>> -> memref<120x128xf32, #tpu.memory_space<vmem_shared>>
      %dma_start3A_54 = arith.constant 0 : i32
      %dma_start3A_55 = arith.constant 0 : i32
      %dma_start3A_56 = tpu.memref_slice %arg10[%dma_start3A_54, %dma_start3A_55] : memref<128x128xf32, #tpu.memory_space<vmem>> -> memref<120x128xf32, #tpu.memory_space<vmem>>
      %dma_start3A_57 = arith.constant 0 : i32
      %dma_start3A_58 = tpu.memref_slice %arg7[%sub3A_45, %dma_start3A_57] : memref<10112x128xf32, #tpu.memory_space<vmem_shared>> -> memref<120x128xf32, #tpu.memory_space<vmem_shared>>
      tpu.enqueue_dma source(%dma_start3A_58 : memref<120x128xf32, #tpu.memory_space<vmem_shared>>) target(%dma_start3A_56 : memref<120x128xf32, #tpu.memory_space<vmem>>) target_semaphore(%run_scoped3A : memref<!tpu.dma_semaphore, #tpu.memory_space<semaphore_mem>>)
      %dma_wait3A = arith.constant 0 : i32
      %dma_wait3A_59 = arith.constant 0 : i32
      %dma_wait3A_60 = tpu.memref_slice %arg10[%dma_wait3A, %dma_wait3A_59] : memref<128x128xf32, #tpu.memory_space<vmem>> -> memref<120x128xf32, #tpu.memory_space<vmem>>
      %dma_wait3A_61 = arith.constant 0 : i32
      %dma_wait3A_62 = tpu.memref_slice %arg7[%sub3A_45, %dma_wait3A_61] : memref<10112x128xf32, #tpu.memory_space<vmem_shared>> -> memref<120x128xf32, #tpu.memory_space<vmem_shared>>
      %dma_wait3A_63 = arith.constant 0 : i32
      %dma_wait3A_64 = arith.constant 0 : i32
      %dma_wait3A_65 = tpu.memref_slice %arg10[%dma_wait3A_63, %dma_wait3A_64] : memref<128x128xf32, #tpu.memory_space<vmem>> -> memref<120x128xf32, #tpu.memory_space<vmem>>
      %dma_wait3A_66 = arith.constant 0 : i32
      %dma_wait3A_67 = tpu.memref_slice %arg7[%sub3A_45, %dma_wait3A_66] : memref<10112x128xf32, #tpu.memory_space<vmem_shared>> -> memref<120x128xf32, #tpu.memory_space<vmem_shared>>
      tpu.wait_dma2 semaphore(%run_scoped3A : memref<!tpu.dma_semaphore, #tpu.memory_space<semaphore_mem>>) src(%dma_wait3A_67 : memref<120x128xf32, #tpu.memory_space<vmem_shared>>) dst(%dma_wait3A_65 : memref<120x128xf32, #tpu.memory_space<vmem>>)
      tpu.yield
    }) : () -> ()
    %add3A_46 = arith.constant 632 : i32
    %add3A_47 = arith.addi %mul3A_2, %add3A_46 : i32
    %sub3A_48 = arith.constant 120 : i32
    %sub3A_49 = arith.subi %add3A_47, %sub3A_48 : i32
    "tpu.region"() ({
      %run_scoped3A = tpu.sem_alloc : memref<!tpu.dma_semaphore, #tpu.memory_space<semaphore_mem>>
      %dma_start3A = arith.constant 0 : i32
      %dma_start3A_50 = arith.constant 0 : i32
      %dma_start3A_51 = tpu.memref_slice %arg10[%dma_start3A, %dma_start3A_50] : memref<128x128xf32, #tpu.memory_space<vmem>> -> memref<120x128xf32, #tpu.memory_space<vmem>>
      %dma_start3A_52 = arith.constant 0 : i32
      %dma_start3A_53 = tpu.memref_slice %arg6[%arg0, %sub3A_49, %dma_start3A_52] : memref<2x10112x128xf32, #tpu.memory_space<hbm>> -> memref<1x120x128xf32, #tpu.memory_space<hbm>>
      %dma_start3A_54 = tpu.memref_squeeze %dma_start3A_53 : memref<1x120x128xf32, #tpu.memory_space<hbm>> -> memref<120x128xf32, #tpu.memory_space<hbm>>
      %dma_start3A_55 = arith.constant 0 : i32
      %dma_start3A_56 = tpu.memref_slice %arg6[%arg0, %sub3A_49, %dma_start3A_55] : memref<2x10112x128xf32, #tpu.memory_space<hbm>> -> memref<1x120x128xf32, #tpu.memory_space<hbm>>
      %dma_start3A_57 = tpu.memref_squeeze %dma_start3A_56 : memref<1x120x128xf32, #tpu.memory_space<hbm>> -> memref<120x128xf32, #tpu.memory_space<hbm>>
      %dma_start3A_58 = arith.constant 0 : i32
      %dma_start3A_59 = arith.constant 0 : i32
      %dma_start3A_60 = tpu.memref_slice %arg10[%dma_start3A_58, %dma_start3A_59] : memref<128x128xf32, #tpu.memory_space<vmem>> -> memref<120x128xf32, #tpu.memory_space<vmem>>
      tpu.enqueue_dma source(%dma_start3A_60 : memref<120x128xf32, #tpu.memory_space<vmem>>) target(%dma_start3A_57 : memref<120x128xf32, #tpu.memory_space<hbm>>) target_semaphore(%run_scoped3A : memref<!tpu.dma_semaphore, #tpu.memory_space<semaphore_mem>>)
      %dma_wait3A = arith.constant 0 : i32
      %dma_wait3A_61 = arith.constant 0 : i32
      %dma_wait3A_62 = tpu.memref_slice %arg10[%dma_wait3A, %dma_wait3A_61] : memref<128x128xf32, #tpu.memory_space<vmem>> -> memref<120x128xf32, #tpu.memory_space<vmem>>
      %dma_wait3A_63 = arith.constant 0 : i32
      %dma_wait3A_64 = tpu.memref_slice %arg6[%arg0, %sub3A_49, %dma_wait3A_63] : memref<2x10112x128xf32, #tpu.memory_space<hbm>> -> memref<1x120x128xf32, #tpu.memory_space<hbm>>
      %dma_wait3A_65 = tpu.memref_squeeze %dma_wait3A_64 : memref<1x120x128xf32, #tpu.memory_space<hbm>> -> memref<120x128xf32, #tpu.memory_space<hbm>>
      %dma_wait3A_66 = arith.constant 0 : i32
      %dma_wait3A_67 = tpu.memref_slice %arg6[%arg0, %sub3A_49, %dma_wait3A_66] : memref<2x10112x128xf32, #tpu.memory_space<hbm>> -> memref<1x120x128xf32, #tpu.memory_space<hbm>>
      %dma_wait3A_68 = tpu.memref_squeeze %dma_wait3A_67 : memref<1x120x128xf32, #tpu.memory_space<hbm>> -> memref<120x128xf32, #tpu.memory_space<hbm>>
      %dma_wait3A_69 = arith.constant 0 : i32
      %dma_wait3A_70 = arith.constant 0 : i32
      %dma_wait3A_71 = tpu.memref_slice %arg10[%dma_wait3A_69, %dma_wait3A_70] : memref<128x128xf32, #tpu.memory_space<vmem>> -> memref<120x128xf32, #tpu.memory_space<vmem>>
      tpu.wait_dma2 semaphore(%run_scoped3A : memref<!tpu.dma_semaphore, #tpu.memory_space<semaphore_mem>>) src(%dma_wait3A_71 : memref<120x128xf32, #tpu.memory_space<vmem>>) dst(%dma_wait3A_68 : memref<120x128xf32, #tpu.memory_space<hbm>>)
      tpu.yield
    }) : () -> ()
    return
  }
}

#map = affine_map<(d0, d1) -> (0, 0)>
#map1 = affine_map<(d0, d1) -> (0, 0, 0)>
module attributes {stable_mosaic.version = 14 : i64} {
  func.func @segment_sum_sc(%arg0: i32, %arg1: i32, %arg2: memref<10000x128xf32, #tpu.memory_space<hbm>>, %arg3: memref<32x112x128xi32, #tpu.memory_space<hbm>>, %arg4: memref<32x112x128xi32, #tpu.memory_space<hbm>>, %arg5: memref<128x128xf32, #tpu.memory_space<hbm>>, %arg6: memref<2x10112x128xf32, #tpu.memory_space<hbm>>, %arg7: memref<10112x128xf32, #tpu.memory_space<vmem_shared>>, %arg8: memref<112x128xi32, #tpu.memory_space<vmem>>, %arg9: memref<112x128xi32, #tpu.memory_space<vmem>>, %arg10: memref<128x128xf32, #tpu.memory_space<vmem>>) attributes {dimension_semantics = [#tpu.dimension_semantics<core_parallel>, #tpu.dimension_semantics<subcore_parallel>], iteration_bounds = array<i64: 2, 16>, scalar_prefetch = 0 : i64, scratch_operands = 4 : i64, tpu.core_type = #tpu.core_type<sc_vector_subcore>, window_params = [{transform_indices = #map}, {transform_indices = #map1}, {transform_indices = #map1}, {transform_indices = #map}, {transform_indices = #map1}]} {
    %mul3A = arith.constant 16 : i32
    %mul3A_0 = arith.muli %arg0, %mul3A : i32
    %add3A = arith.addi %mul3A_0, %arg1 : i32
    "tpu.region"() ({
      %run_scoped3A = tpu.sem_alloc : memref<!tpu.dma_semaphore, #tpu.memory_space<semaphore_mem>>
      tpu.enqueue_dma source(%arg5 : memref<128x128xf32, #tpu.memory_space<hbm>>) target(%arg10 : memref<128x128xf32, #tpu.memory_space<vmem>>) target_semaphore(%run_scoped3A : memref<!tpu.dma_semaphore, #tpu.memory_space<semaphore_mem>>)
      tpu.wait_dma2 semaphore(%run_scoped3A : memref<!tpu.dma_semaphore, #tpu.memory_space<semaphore_mem>>) src(%arg5 : memref<128x128xf32, #tpu.memory_space<hbm>>) dst(%arg10 : memref<128x128xf32, #tpu.memory_space<vmem>>)
      tpu.yield
    }) : () -> ()
    %mul3A_1 = arith.constant 632 : i32
    %mul3A_2 = arith.muli %arg1, %mul3A_1 : i32
    %add3A_3 = arith.constant 0 : i32
    %add3A_4 = arith.addi %mul3A_2, %add3A_3 : i32
    "tpu.region"() ({
      %run_scoped3A = tpu.sem_alloc : memref<!tpu.dma_semaphore, #tpu.memory_space<semaphore_mem>>
      %dma_start3A = arith.constant 0 : i32
      %dma_start3A_50 = tpu.memref_slice %arg7[%add3A_4, %dma_start3A] : memref<10112x128xf32, #tpu.memory_space<vmem_shared>> -> memref<128x128xf32, #tpu.memory_space<vmem_shared>>
      %dma_start3A_51 = arith.constant 0 : i32
      %dma_start3A_52 = tpu.memref_slice %arg7[%add3A_4, %dma_start3A_51] : memref<10112x128xf32, #tpu.memory_space<vmem_shared>> -> memref<128x128xf32, #tpu.memory_space<vmem_shared>>
      tpu.enqueue_dma source(%arg10 : memref<128x128xf32, #tpu.memory_space<vmem>>) target(%dma_start3A_52 : memref<128x128xf32, #tpu.memory_space<vmem_shared>>) target_semaphore(%run_scoped3A : memref<!tpu.dma_semaphore, #tpu.memory_space<semaphore_mem>>)
      %dma_wait3A = arith.constant 0 : i32
      %dma_wait3A_53 = tpu.memref_slice %arg7[%add3A_4, %dma_wait3A] : memref<10112x128xf32, #tpu.memory_space<vmem_shared>> -> memref<128x128xf32, #tpu.memory_space<vmem_shared>>
      %dma_wait3A_54 = arith.constant 0 : i32
      %dma_wait3A_55 = tpu.memref_slice %arg7[%add3A_4, %dma_wait3A_54] : memref<10112x128xf32, #tpu.memory_space<vmem_shared>> -> memref<128x128xf32, #tpu.memory_space<vmem_shared>>
      tpu.wait_dma2 semaphore(%run_scoped3A : memref<!tpu.dma_semaphore, #tpu.memory_space<semaphore_mem>>) src(%arg10 : memref<128x128xf32, #tpu.memory_space<vmem>>) dst(%dma_wait3A_55 : memref<128x128xf32, #tpu.memory_space<vmem_shared>>)
      tpu.yield
    }) : () -> ()
    %add3A_5 = arith.constant 128 : i32
    %add3A_6 = arith.addi %mul3A_2, %add3A_5 : i32
    "tpu.region"() ({
      %run_scoped3A = tpu.sem_alloc : memref<!tpu.dma_semaphore, #tpu.memory_space<semaphore_mem>>
      %dma_start3A = arith.constant 0 : i32
      %dma_start3A_50 = tpu.memref_slice %arg7[%add3A_6, %dma_start3A] : memref<10112x128xf32, #tpu.memory_space<vmem_shared>> -> memref<128x128xf32, #tpu.memory_space<vmem_shared>>
      %dma_start3A_51 = arith.constant 0 : i32
      %dma_start3A_52 = tpu.memref_slice %arg7[%add3A_6, %dma_start3A_51] : memref<10112x128xf32, #tpu.memory_space<vmem_shared>> -> memref<128x128xf32, #tpu.memory_space<vmem_shared>>
      tpu.enqueue_dma source(%arg10 : memref<128x128xf32, #tpu.memory_space<vmem>>) target(%dma_start3A_52 : memref<128x128xf32, #tpu.memory_space<vmem_shared>>) target_semaphore(%run_scoped3A : memref<!tpu.dma_semaphore, #tpu.memory_space<semaphore_mem>>)
      %dma_wait3A = arith.constant 0 : i32
      %dma_wait3A_53 = tpu.memref_slice %arg7[%add3A_6, %dma_wait3A] : memref<10112x128xf32, #tpu.memory_space<vmem_shared>> -> memref<128x128xf32, #tpu.memory_space<vmem_shared>>
      %dma_wait3A_54 = arith.constant 0 : i32
      %dma_wait3A_55 = tpu.memref_slice %arg7[%add3A_6, %dma_wait3A_54] : memref<10112x128xf32, #tpu.memory_space<vmem_shared>> -> memref<128x128xf32, #tpu.memory_space<vmem_shared>>
      tpu.wait_dma2 semaphore(%run_scoped3A : memref<!tpu.dma_semaphore, #tpu.memory_space<semaphore_mem>>) src(%arg10 : memref<128x128xf32, #tpu.memory_space<vmem>>) dst(%dma_wait3A_55 : memref<128x128xf32, #tpu.memory_space<vmem_shared>>)
      tpu.yield
    }) : () -> ()
    %add3A_7 = arith.constant 256 : i32
    %add3A_8 = arith.addi %mul3A_2, %add3A_7 : i32
    "tpu.region"() ({
      %run_scoped3A = tpu.sem_alloc : memref<!tpu.dma_semaphore, #tpu.memory_space<semaphore_mem>>
      %dma_start3A = arith.constant 0 : i32
      %dma_start3A_50 = tpu.memref_slice %arg7[%add3A_8, %dma_start3A] : memref<10112x128xf32, #tpu.memory_space<vmem_shared>> -> memref<128x128xf32, #tpu.memory_space<vmem_shared>>
      %dma_start3A_51 = arith.constant 0 : i32
      %dma_start3A_52 = tpu.memref_slice %arg7[%add3A_8, %dma_start3A_51] : memref<10112x128xf32, #tpu.memory_space<vmem_shared>> -> memref<128x128xf32, #tpu.memory_space<vmem_shared>>
      tpu.enqueue_dma source(%arg10 : memref<128x128xf32, #tpu.memory_space<vmem>>) target(%dma_start3A_52 : memref<128x128xf32, #tpu.memory_space<vmem_shared>>) target_semaphore(%run_scoped3A : memref<!tpu.dma_semaphore, #tpu.memory_space<semaphore_mem>>)
      %dma_wait3A = arith.constant 0 : i32
      %dma_wait3A_53 = tpu.memref_slice %arg7[%add3A_8, %dma_wait3A] : memref<10112x128xf32, #tpu.memory_space<vmem_shared>> -> memref<128x128xf32, #tpu.memory_space<vmem_shared>>
      %dma_wait3A_54 = arith.constant 0 : i32
      %dma_wait3A_55 = tpu.memref_slice %arg7[%add3A_8, %dma_wait3A_54] : memref<10112x128xf32, #tpu.memory_space<vmem_shared>> -> memref<128x128xf32, #tpu.memory_space<vmem_shared>>
      tpu.wait_dma2 semaphore(%run_scoped3A : memref<!tpu.dma_semaphore, #tpu.memory_space<semaphore_mem>>) src(%arg10 : memref<128x128xf32, #tpu.memory_space<vmem>>) dst(%dma_wait3A_55 : memref<128x128xf32, #tpu.memory_space<vmem_shared>>)
      tpu.yield
    }) : () -> ()
    %add3A_9 = arith.constant 384 : i32
    %add3A_10 = arith.addi %mul3A_2, %add3A_9 : i32
    "tpu.region"() ({
      %run_scoped3A = tpu.sem_alloc : memref<!tpu.dma_semaphore, #tpu.memory_space<semaphore_mem>>
      %dma_start3A = arith.constant 0 : i32
      %dma_start3A_50 = tpu.memref_slice %arg7[%add3A_10, %dma_start3A] : memref<10112x128xf32, #tpu.memory_space<vmem_shared>> -> memref<128x128xf32, #tpu.memory_space<vmem_shared>>
      %dma_start3A_51 = arith.constant 0 : i32
      %dma_start3A_52 = tpu.memref_slice %arg7[%add3A_10, %dma_start3A_51] : memref<10112x128xf32, #tpu.memory_space<vmem_shared>> -> memref<128x128xf32, #tpu.memory_space<vmem_shared>>
      tpu.enqueue_dma source(%arg10 : memref<128x128xf32, #tpu.memory_space<vmem>>) target(%dma_start3A_52 : memref<128x128xf32, #tpu.memory_space<vmem_shared>>) target_semaphore(%run_scoped3A : memref<!tpu.dma_semaphore, #tpu.memory_space<semaphore_mem>>)
      %dma_wait3A = arith.constant 0 : i32
      %dma_wait3A_53 = tpu.memref_slice %arg7[%add3A_10, %dma_wait3A] : memref<10112x128xf32, #tpu.memory_space<vmem_shared>> -> memref<128x128xf32, #tpu.memory_space<vmem_shared>>
      %dma_wait3A_54 = arith.constant 0 : i32
      %dma_wait3A_55 = tpu.memref_slice %arg7[%add3A_10, %dma_wait3A_54] : memref<10112x128xf32, #tpu.memory_space<vmem_shared>> -> memref<128x128xf32, #tpu.memory_space<vmem_shared>>
      tpu.wait_dma2 semaphore(%run_scoped3A : memref<!tpu.dma_semaphore, #tpu.memory_space<semaphore_mem>>) src(%arg10 : memref<128x128xf32, #tpu.memory_space<vmem>>) dst(%dma_wait3A_55 : memref<128x128xf32, #tpu.memory_space<vmem_shared>>)
      tpu.yield
    }) : () -> ()
    %add3A_11 = arith.constant 632 : i32
    %add3A_12 = arith.addi %mul3A_2, %add3A_11 : i32
    %sub3A = arith.constant 120 : i32
    %sub3A_13 = arith.subi %add3A_12, %sub3A : i32
    "tpu.region"() ({
      %run_scoped3A = tpu.sem_alloc : memref<!tpu.dma_semaphore, #tpu.memory_space<semaphore_mem>>
      %dma_start3A = arith.constant 0 : i32
      %dma_start3A_50 = arith.constant 0 : i32
      %dma_start3A_51 = tpu.memref_slice %arg10[%dma_start3A, %dma_start3A_50] : memref<128x128xf32, #tpu.memory_space<vmem>> -> memref<120x128xf32, #tpu.memory_space<vmem>>
      %dma_start3A_52 = arith.constant 0 : i32
      %dma_start3A_53 = tpu.memref_slice %arg7[%sub3A_13, %dma_start3A_52] : memref<10112x128xf32, #tpu.memory_space<vmem_shared>> -> memref<120x128xf32, #tpu.memory_space<vmem_shared>>
      %dma_start3A_54 = arith.constant 0 : i32
      %dma_start3A_55 = tpu.memref_slice %arg7[%sub3A_13, %dma_start3A_54] : memref<10112x128xf32, #tpu.memory_space<vmem_shared>> -> memref<120x128xf32, #tpu.memory_space<vmem_shared>>
      %dma_start3A_56 = arith.constant 0 : i32
      %dma_start3A_57 = arith.constant 0 : i32
      %dma_start3A_58 = tpu.memref_slice %arg10[%dma_start3A_56, %dma_start3A_57] : memref<128x128xf32, #tpu.memory_space<vmem>> -> memref<120x128xf32, #tpu.memory_space<vmem>>
      tpu.enqueue_dma source(%dma_start3A_58 : memref<120x128xf32, #tpu.memory_space<vmem>>) target(%dma_start3A_55 : memref<120x128xf32, #tpu.memory_space<vmem_shared>>) target_semaphore(%run_scoped3A : memref<!tpu.dma_semaphore, #tpu.memory_space<semaphore_mem>>)
      %dma_wait3A = arith.constant 0 : i32
      %dma_wait3A_59 = arith.constant 0 : i32
      %dma_wait3A_60 = tpu.memref_slice %arg10[%dma_wait3A, %dma_wait3A_59] : memref<128x128xf32, #tpu.memory_space<vmem>> -> memref<120x128xf32, #tpu.memory_space<vmem>>
      %dma_wait3A_61 = arith.constant 0 : i32
      %dma_wait3A_62 = tpu.memref_slice %arg7[%sub3A_13, %dma_wait3A_61] : memref<10112x128xf32, #tpu.memory_space<vmem_shared>> -> memref<120x128xf32, #tpu.memory_space<vmem_shared>>
      %dma_wait3A_63 = arith.constant 0 : i32
      %dma_wait3A_64 = tpu.memref_slice %arg7[%sub3A_13, %dma_wait3A_63] : memref<10112x128xf32, #tpu.memory_space<vmem_shared>> -> memref<120x128xf32, #tpu.memory_space<vmem_shared>>
      %dma_wait3A_65 = arith.constant 0 : i32
      %dma_wait3A_66 = arith.constant 0 : i32
      %dma_wait3A_67 = tpu.memref_slice %arg10[%dma_wait3A_65, %dma_wait3A_66] : memref<128x128xf32, #tpu.memory_space<vmem>> -> memref<120x128xf32, #tpu.memory_space<vmem>>
      tpu.wait_dma2 semaphore(%run_scoped3A : memref<!tpu.dma_semaphore, #tpu.memory_space<semaphore_mem>>) src(%dma_wait3A_67 : memref<120x128xf32, #tpu.memory_space<vmem>>) dst(%dma_wait3A_64 : memref<120x128xf32, #tpu.memory_space<vmem_shared>>)
      tpu.yield
    }) : () -> ()
    "tpu.region"() ({
      %run_scoped3A = tpu.sem_alloc : memref<!tpu.dma_semaphore, #tpu.memory_space<semaphore_mem>>
      %dma_start3A = arith.constant 0 : i32
      %dma_start3A_50 = arith.constant 0 : i32
      %dma_start3A_51 = tpu.memref_slice %arg4[%add3A, %dma_start3A, %dma_start3A_50] : memref<32x112x128xi32, #tpu.memory_space<hbm>> -> memref<1x112x128xi32, #tpu.memory_space<hbm>>
      %dma_start3A_52 = tpu.memref_squeeze %dma_start3A_51 : memref<1x112x128xi32, #tpu.memory_space<hbm>> -> memref<112x128xi32, #tpu.memory_space<hbm>>
      %dma_start3A_53 = arith.constant 0 : i32
      %dma_start3A_54 = arith.constant 0 : i32
      %dma_start3A_55 = tpu.memref_slice %arg4[%add3A, %dma_start3A_53, %dma_start3A_54] : memref<32x112x128xi32, #tpu.memory_space<hbm>> -> memref<1x112x128xi32, #tpu.memory_space<hbm>>
      %dma_start3A_56 = tpu.memref_squeeze %dma_start3A_55 : memref<1x112x128xi32, #tpu.memory_space<hbm>> -> memref<112x128xi32, #tpu.memory_space<hbm>>
      tpu.enqueue_dma source(%dma_start3A_56 : memref<112x128xi32, #tpu.memory_space<hbm>>) target(%arg8 : memref<112x128xi32, #tpu.memory_space<vmem>>) target_semaphore(%run_scoped3A : memref<!tpu.dma_semaphore, #tpu.memory_space<semaphore_mem>>)
      %dma_wait3A = arith.constant 0 : i32
      %dma_wait3A_57 = arith.constant 0 : i32
      %dma_wait3A_58 = tpu.memref_slice %arg4[%add3A, %dma_wait3A, %dma_wait3A_57] : memref<32x112x128xi32, #tpu.memory_space<hbm>> -> memref<1x112x128xi32, #tpu.memory_space<hbm>>
      %dma_wait3A_59 = tpu.memref_squeeze %dma_wait3A_58 : memref<1x112x128xi32, #tpu.memory_space<hbm>> -> memref<112x128xi32, #tpu.memory_space<hbm>>
      %dma_wait3A_60 = arith.constant 0 : i32
      %dma_wait3A_61 = arith.constant 0 : i32
      %dma_wait3A_62 = tpu.memref_slice %arg4[%add3A, %dma_wait3A_60, %dma_wait3A_61] : memref<32x112x128xi32, #tpu.memory_space<hbm>> -> memref<1x112x128xi32, #tpu.memory_space<hbm>>
      %dma_wait3A_63 = tpu.memref_squeeze %dma_wait3A_62 : memref<1x112x128xi32, #tpu.memory_space<hbm>> -> memref<112x128xi32, #tpu.memory_space<hbm>>
      tpu.wait_dma2 semaphore(%run_scoped3A : memref<!tpu.dma_semaphore, #tpu.memory_space<semaphore_mem>>) src(%dma_wait3A_63 : memref<112x128xi32, #tpu.memory_space<hbm>>) dst(%arg8 : memref<112x128xi32, #tpu.memory_space<vmem>>)
      tpu.yield
    }) : () -> ()
    %barrier3A = arith.constant 0 : index
    tpu.barrier barrier_id(%barrier3A)
    "tpu.region"() ({
      %run_scoped3A = tpu.sem_alloc : memref<!tpu.dma_semaphore, #tpu.memory_space<semaphore_mem>>
      %dma_start3A = arith.constant 0 : i32
      %dma_start3A_50 = arith.constant 0 : i32
      %dma_start3A_51 = tpu.memref_slice %arg3[%add3A, %dma_start3A, %dma_start3A_50] : memref<32x112x128xi32, #tpu.memory_space<hbm>> -> memref<1x112x128xi32, #tpu.memory_space<hbm>>
      %dma_start3A_52 = tpu.memref_squeeze %dma_start3A_51 : memref<1x112x128xi32, #tpu.memory_space<hbm>> -> memref<112x128xi32, #tpu.memory_space<hbm>>
      %dma_start3A_53 = arith.constant 0 : i32
      %dma_start3A_54 = arith.constant 0 : i32
      %dma_start3A_55 = tpu.memref_slice %arg3[%add3A, %dma_start3A_53, %dma_start3A_54] : memref<32x112x128xi32, #tpu.memory_space<hbm>> -> memref<1x112x128xi32, #tpu.memory_space<hbm>>
      %dma_start3A_56 = tpu.memref_squeeze %dma_start3A_55 : memref<1x112x128xi32, #tpu.memory_space<hbm>> -> memref<112x128xi32, #tpu.memory_space<hbm>>
      tpu.enqueue_dma source(%dma_start3A_56 : memref<112x128xi32, #tpu.memory_space<hbm>>) target(%arg9 : memref<112x128xi32, #tpu.memory_space<vmem>>) target_semaphore(%run_scoped3A : memref<!tpu.dma_semaphore, #tpu.memory_space<semaphore_mem>>)
      %dma_wait3A = arith.constant 0 : i32
      %dma_wait3A_57 = arith.constant 0 : i32
      %dma_wait3A_58 = tpu.memref_slice %arg3[%add3A, %dma_wait3A, %dma_wait3A_57] : memref<32x112x128xi32, #tpu.memory_space<hbm>> -> memref<1x112x128xi32, #tpu.memory_space<hbm>>
      %dma_wait3A_59 = tpu.memref_squeeze %dma_wait3A_58 : memref<1x112x128xi32, #tpu.memory_space<hbm>> -> memref<112x128xi32, #tpu.memory_space<hbm>>
      %dma_wait3A_60 = arith.constant 0 : i32
      %dma_wait3A_61 = arith.constant 0 : i32
      %dma_wait3A_62 = tpu.memref_slice %arg3[%add3A, %dma_wait3A_60, %dma_wait3A_61] : memref<32x112x128xi32, #tpu.memory_space<hbm>> -> memref<1x112x128xi32, #tpu.memory_space<hbm>>
      %dma_wait3A_63 = tpu.memref_squeeze %dma_wait3A_62 : memref<1x112x128xi32, #tpu.memory_space<hbm>> -> memref<112x128xi32, #tpu.memory_space<hbm>>
      tpu.wait_dma2 semaphore(%run_scoped3A : memref<!tpu.dma_semaphore, #tpu.memory_space<semaphore_mem>>) src(%dma_wait3A_63 : memref<112x128xi32, #tpu.memory_space<hbm>>) dst(%arg9 : memref<112x128xi32, #tpu.memory_space<vmem>>)
      tpu.yield
    }) : () -> ()
    %eq3A = arith.constant 0 : i32
    %eq3A_14 = arith.cmpi eq, %arg0, %eq3A : i32
    %jit3A = arith.constant 112 : i32
    %jit3A_15 = arith.constant 46 : i32
    %select_n3A = arith.select %eq3A_14, %jit3A, %jit3A_15 : i32
    %while3A = arith.constant 0 : i32
    %while3A_16 = arith.constant 0 : i32
    %while3A_17 = arith.subi %select_n3A, %while3A_16 : i32
    %while3A_18 = arith.addi %while3A_16, %while3A_17 : i32
    %while3A_19 = arith.constant 1 : i32
    %while3A_20 = arith.divsi %while3A_17, %while3A_19 : i32
    %while3A_21 = arith.muli %while3A_20, %while3A_19 : i32
    %while3A_22 = arith.addi %while3A_16, %while3A_21 : i32
    %while3A_23 = arith.constant 1 : i32
    scf.for %while3A_50 = %while3A_16 to %while3A_22 step %while3A_23  : i32 {
      "tpu.region"() ({
        %run_scoped3A = tpu.sem_alloc : memref<!tpu.dma_semaphore, #tpu.memory_space<semaphore_mem>>
        %dma_start3A = arith.constant 0 : i32
        %dma_start3A_51 = tpu.memref_slice %arg9[%while3A_50, %dma_start3A] : memref<112x128xi32, #tpu.memory_space<vmem>> -> memref<1x128xi32, #tpu.memory_space<vmem>>
        %dma_start3A_52 = tpu.memref_squeeze %dma_start3A_51 : memref<1x128xi32, #tpu.memory_space<vmem>> -> memref<128xi32, #tpu.memory_space<vmem>>
        %dma_start3A_53 = arith.constant 0 : i32
        %dma_start3A_54 = arith.constant 0 : i32
        %dma_start3A_55 = tpu.memref_slice %arg2[%dma_start3A_53, %dma_start3A_54] : memref<10000x128xf32, #tpu.memory_space<hbm>> -> memref<10000x128xf32, #tpu.memory_space<hbm>>
        tpu.enqueue_indirect_dma source(%dma_start3A_55 : memref<10000x128xf32, #tpu.memory_space<hbm>>) target(%arg10 : memref<128x128xf32, #tpu.memory_space<vmem>>) offsets(%dma_start3A_52 : memref<128xi32, #tpu.memory_space<vmem>>) semaphore(%run_scoped3A : memref<!tpu.dma_semaphore, #tpu.memory_space<semaphore_mem>>)
        %dma_wait3A = arith.constant 0 : i32
        %dma_wait3A_56 = tpu.memref_slice %arg9[%while3A_50, %dma_wait3A] : memref<112x128xi32, #tpu.memory_space<vmem>> -> memref<1x128xi32, #tpu.memory_space<vmem>>
        %dma_wait3A_57 = tpu.memref_squeeze %dma_wait3A_56 : memref<1x128xi32, #tpu.memory_space<vmem>> -> memref<128xi32, #tpu.memory_space<vmem>>
        %dma_wait3A_58 = arith.constant 0 : i32
        %dma_wait3A_59 = arith.constant 0 : i32
        %dma_wait3A_60 = tpu.memref_slice %arg2[%dma_wait3A_58, %dma_wait3A_59] : memref<10000x128xf32, #tpu.memory_space<hbm>> -> memref<10000x128xf32, #tpu.memory_space<hbm>>
        tpu.wait_indirect_dma semaphore(%run_scoped3A : memref<!tpu.dma_semaphore, #tpu.memory_space<semaphore_mem>>) src(%dma_wait3A_60 : memref<10000x128xf32, #tpu.memory_space<hbm>>) dst(%arg10 : memref<128x128xf32, #tpu.memory_space<vmem>>)
        tpu.yield
      }) : () -> ()
      "tpu.region"() ({
        %run_scoped3A = tpu.sem_alloc : memref<!tpu.dma_semaphore, #tpu.memory_space<semaphore_mem>>
        %dma_start3A = arith.constant 0 : i32
        %dma_start3A_51 = tpu.memref_slice %arg8[%while3A_50, %dma_start3A] : memref<112x128xi32, #tpu.memory_space<vmem>> -> memref<1x128xi32, #tpu.memory_space<vmem>>
        %dma_start3A_52 = tpu.memref_squeeze %dma_start3A_51 : memref<1x128xi32, #tpu.memory_space<vmem>> -> memref<128xi32, #tpu.memory_space<vmem>>
        %dma_start3A_53 = arith.constant 0 : i32
        %dma_start3A_54 = arith.constant 0 : i32
        %dma_start3A_55 = tpu.memref_slice %arg7[%dma_start3A_53, %dma_start3A_54] : memref<10112x128xf32, #tpu.memory_space<vmem_shared>> -> memref<10112x128xf32, #tpu.memory_space<vmem_shared>>
        tpu.enqueue_indirect_dma source(%arg10 : memref<128x128xf32, #tpu.memory_space<vmem>>) target(%dma_start3A_55 : memref<10112x128xf32, #tpu.memory_space<vmem_shared>>) offsets(%dma_start3A_52 : memref<128xi32, #tpu.memory_space<vmem>>) semaphore(%run_scoped3A : memref<!tpu.dma_semaphore, #tpu.memory_space<semaphore_mem>>) {add = true}
        %dma_wait3A = arith.constant 0 : i32
        %dma_wait3A_56 = tpu.memref_slice %arg8[%while3A_50, %dma_wait3A] : memref<112x128xi32, #tpu.memory_space<vmem>> -> memref<1x128xi32, #tpu.memory_space<vmem>>
        %dma_wait3A_57 = tpu.memref_squeeze %dma_wait3A_56 : memref<1x128xi32, #tpu.memory_space<vmem>> -> memref<128xi32, #tpu.memory_space<vmem>>
        %dma_wait3A_58 = arith.constant 0 : i32
        %dma_wait3A_59 = arith.constant 0 : i32
        %dma_wait3A_60 = tpu.memref_slice %arg7[%dma_wait3A_58, %dma_wait3A_59] : memref<10112x128xf32, #tpu.memory_space<vmem_shared>> -> memref<10112x128xf32, #tpu.memory_space<vmem_shared>>
        tpu.wait_indirect_dma semaphore(%run_scoped3A : memref<!tpu.dma_semaphore, #tpu.memory_space<semaphore_mem>>) src(%arg10 : memref<128x128xf32, #tpu.memory_space<vmem>>) dst(%dma_wait3A_60 : memref<10112x128xf32, #tpu.memory_space<vmem_shared>>)
        tpu.yield
      }) : () -> ()
    }
    %while3A_24 = arith.constant 1 : i32
    scf.for %while3A_50 = %while3A_22 to %while3A_18 step %while3A_24  : i32 {
      "tpu.region"() ({
        %run_scoped3A = tpu.sem_alloc : memref<!tpu.dma_semaphore, #tpu.memory_space<semaphore_mem>>
        %dma_start3A = arith.constant 0 : i32
        %dma_start3A_51 = tpu.memref_slice %arg9[%while3A_50, %dma_start3A] : memref<112x128xi32, #tpu.memory_space<vmem>> -> memref<1x128xi32, #tpu.memory_space<vmem>>
        %dma_start3A_52 = tpu.memref_squeeze %dma_start3A_51 : memref<1x128xi32, #tpu.memory_space<vmem>> -> memref<128xi32, #tpu.memory_space<vmem>>
        %dma_start3A_53 = arith.constant 0 : i32
        %dma_start3A_54 = arith.constant 0 : i32
        %dma_start3A_55 = tpu.memref_slice %arg2[%dma_start3A_53, %dma_start3A_54] : memref<10000x128xf32, #tpu.memory_space<hbm>> -> memref<10000x128xf32, #tpu.memory_space<hbm>>
        tpu.enqueue_indirect_dma source(%dma_start3A_55 : memref<10000x128xf32, #tpu.memory_space<hbm>>) target(%arg10 : memref<128x128xf32, #tpu.memory_space<vmem>>) offsets(%dma_start3A_52 : memref<128xi32, #tpu.memory_space<vmem>>) semaphore(%run_scoped3A : memref<!tpu.dma_semaphore, #tpu.memory_space<semaphore_mem>>)
        %dma_wait3A = arith.constant 0 : i32
        %dma_wait3A_56 = tpu.memref_slice %arg9[%while3A_50, %dma_wait3A] : memref<112x128xi32, #tpu.memory_space<vmem>> -> memref<1x128xi32, #tpu.memory_space<vmem>>
        %dma_wait3A_57 = tpu.memref_squeeze %dma_wait3A_56 : memref<1x128xi32, #tpu.memory_space<vmem>> -> memref<128xi32, #tpu.memory_space<vmem>>
        %dma_wait3A_58 = arith.constant 0 : i32
        %dma_wait3A_59 = arith.constant 0 : i32
        %dma_wait3A_60 = tpu.memref_slice %arg2[%dma_wait3A_58, %dma_wait3A_59] : memref<10000x128xf32, #tpu.memory_space<hbm>> -> memref<10000x128xf32, #tpu.memory_space<hbm>>
        tpu.wait_indirect_dma semaphore(%run_scoped3A : memref<!tpu.dma_semaphore, #tpu.memory_space<semaphore_mem>>) src(%dma_wait3A_60 : memref<10000x128xf32, #tpu.memory_space<hbm>>) dst(%arg10 : memref<128x128xf32, #tpu.memory_space<vmem>>)
        tpu.yield
      }) : () -> ()
      "tpu.region"() ({
        %run_scoped3A = tpu.sem_alloc : memref<!tpu.dma_semaphore, #tpu.memory_space<semaphore_mem>>
        %dma_start3A = arith.constant 0 : i32
        %dma_start3A_51 = tpu.memref_slice %arg8[%while3A_50, %dma_start3A] : memref<112x128xi32, #tpu.memory_space<vmem>> -> memref<1x128xi32, #tpu.memory_space<vmem>>
        %dma_start3A_52 = tpu.memref_squeeze %dma_start3A_51 : memref<1x128xi32, #tpu.memory_space<vmem>> -> memref<128xi32, #tpu.memory_space<vmem>>
        %dma_start3A_53 = arith.constant 0 : i32
        %dma_start3A_54 = arith.constant 0 : i32
        %dma_start3A_55 = tpu.memref_slice %arg7[%dma_start3A_53, %dma_start3A_54] : memref<10112x128xf32, #tpu.memory_space<vmem_shared>> -> memref<10112x128xf32, #tpu.memory_space<vmem_shared>>
        tpu.enqueue_indirect_dma source(%arg10 : memref<128x128xf32, #tpu.memory_space<vmem>>) target(%dma_start3A_55 : memref<10112x128xf32, #tpu.memory_space<vmem_shared>>) offsets(%dma_start3A_52 : memref<128xi32, #tpu.memory_space<vmem>>) semaphore(%run_scoped3A : memref<!tpu.dma_semaphore, #tpu.memory_space<semaphore_mem>>) {add = true}
        %dma_wait3A = arith.constant 0 : i32
        %dma_wait3A_56 = tpu.memref_slice %arg8[%while3A_50, %dma_wait3A] : memref<112x128xi32, #tpu.memory_space<vmem>> -> memref<1x128xi32, #tpu.memory_space<vmem>>
        %dma_wait3A_57 = tpu.memref_squeeze %dma_wait3A_56 : memref<1x128xi32, #tpu.memory_space<vmem>> -> memref<128xi32, #tpu.memory_space<vmem>>
        %dma_wait3A_58 = arith.constant 0 : i32
        %dma_wait3A_59 = arith.constant 0 : i32
        %dma_wait3A_60 = tpu.memref_slice %arg7[%dma_wait3A_58, %dma_wait3A_59] : memref<10112x128xf32, #tpu.memory_space<vmem_shared>> -> memref<10112x128xf32, #tpu.memory_space<vmem_shared>>
        tpu.wait_indirect_dma semaphore(%run_scoped3A : memref<!tpu.dma_semaphore, #tpu.memory_space<semaphore_mem>>) src(%arg10 : memref<128x128xf32, #tpu.memory_space<vmem>>) dst(%dma_wait3A_60 : memref<10112x128xf32, #tpu.memory_space<vmem_shared>>)
        tpu.yield
      }) : () -> ()
    }
    %barrier3A_25 = arith.constant 0 : index
    tpu.barrier barrier_id(%barrier3A_25)
    %add3A_26 = arith.constant 0 : i32
    %add3A_27 = arith.addi %mul3A_2, %add3A_26 : i32
    "tpu.region"() ({
      %run_scoped3A = tpu.sem_alloc : memref<!tpu.dma_semaphore, #tpu.memory_space<semaphore_mem>>
      %dma_start3A = arith.constant 0 : i32
      %dma_start3A_50 = tpu.memref_slice %arg7[%add3A_27, %dma_start3A] : memref<10112x128xf32, #tpu.memory_space<vmem_shared>> -> memref<128x128xf32, #tpu.memory_space<vmem_shared>>
      %dma_start3A_51 = arith.constant 0 : i32
      %dma_start3A_52 = tpu.memref_slice %arg7[%add3A_27, %dma_start3A_51] : memref<10112x128xf32, #tpu.memory_space<vmem_shared>> -> memref<128x128xf32, #tpu.memory_space<vmem_shared>>
      tpu.enqueue_dma source(%dma_start3A_52 : memref<128x128xf32, #tpu.memory_space<vmem_shared>>) target(%arg10 : memref<128x128xf32, #tpu.memory_space<vmem>>) target_semaphore(%run_scoped3A : memref<!tpu.dma_semaphore, #tpu.memory_space<semaphore_mem>>)
      %dma_wait3A = arith.constant 0 : i32
      %dma_wait3A_53 = tpu.memref_slice %arg7[%add3A_27, %dma_wait3A] : memref<10112x128xf32, #tpu.memory_space<vmem_shared>> -> memref<128x128xf32, #tpu.memory_space<vmem_shared>>
      %dma_wait3A_54 = arith.constant 0 : i32
      %dma_wait3A_55 = tpu.memref_slice %arg7[%add3A_27, %dma_wait3A_54] : memref<10112x128xf32, #tpu.memory_space<vmem_shared>> -> memref<128x128xf32, #tpu.memory_space<vmem_shared>>
      tpu.wait_dma2 semaphore(%run_scoped3A : memref<!tpu.dma_semaphore, #tpu.memory_space<semaphore_mem>>) src(%dma_wait3A_55 : memref<128x128xf32, #tpu.memory_space<vmem_shared>>) dst(%arg10 : memref<128x128xf32, #tpu.memory_space<vmem>>)
      tpu.yield
    }) : () -> ()
    %add3A_28 = arith.constant 0 : i32
    %add3A_29 = arith.addi %mul3A_2, %add3A_28 : i32
    "tpu.region"() ({
      %run_scoped3A = tpu.sem_alloc : memref<!tpu.dma_semaphore, #tpu.memory_space<semaphore_mem>>
      %dma_start3A = arith.constant 0 : i32
      %dma_start3A_50 = tpu.memref_slice %arg6[%arg0, %add3A_29, %dma_start3A] : memref<2x10112x128xf32, #tpu.memory_space<hbm>> -> memref<1x128x128xf32, #tpu.memory_space<hbm>>
      %dma_start3A_51 = tpu.memref_squeeze %dma_start3A_50 : memref<1x128x128xf32, #tpu.memory_space<hbm>> -> memref<128x128xf32, #tpu.memory_space<hbm>>
      %dma_start3A_52 = arith.constant 0 : i32
      %dma_start3A_53 = tpu.memref_slice %arg6[%arg0, %add3A_29, %dma_start3A_52] : memref<2x10112x128xf32, #tpu.memory_space<hbm>> -> memref<1x128x128xf32, #tpu.memory_space<hbm>>
      %dma_start3A_54 = tpu.memref_squeeze %dma_start3A_53 : memref<1x128x128xf32, #tpu.memory_space<hbm>> -> memref<128x128xf32, #tpu.memory_space<hbm>>
      tpu.enqueue_dma source(%arg10 : memref<128x128xf32, #tpu.memory_space<vmem>>) target(%dma_start3A_54 : memref<128x128xf32, #tpu.memory_space<hbm>>) target_semaphore(%run_scoped3A : memref<!tpu.dma_semaphore, #tpu.memory_space<semaphore_mem>>)
      %dma_wait3A = arith.constant 0 : i32
      %dma_wait3A_55 = tpu.memref_slice %arg6[%arg0, %add3A_29, %dma_wait3A] : memref<2x10112x128xf32, #tpu.memory_space<hbm>> -> memref<1x128x128xf32, #tpu.memory_space<hbm>>
      %dma_wait3A_56 = tpu.memref_squeeze %dma_wait3A_55 : memref<1x128x128xf32, #tpu.memory_space<hbm>> -> memref<128x128xf32, #tpu.memory_space<hbm>>
      %dma_wait3A_57 = arith.constant 0 : i32
      %dma_wait3A_58 = tpu.memref_slice %arg6[%arg0, %add3A_29, %dma_wait3A_57] : memref<2x10112x128xf32, #tpu.memory_space<hbm>> -> memref<1x128x128xf32, #tpu.memory_space<hbm>>
      %dma_wait3A_59 = tpu.memref_squeeze %dma_wait3A_58 : memref<1x128x128xf32, #tpu.memory_space<hbm>> -> memref<128x128xf32, #tpu.memory_space<hbm>>
      tpu.wait_dma2 semaphore(%run_scoped3A : memref<!tpu.dma_semaphore, #tpu.memory_space<semaphore_mem>>) src(%arg10 : memref<128x128xf32, #tpu.memory_space<vmem>>) dst(%dma_wait3A_59 : memref<128x128xf32, #tpu.memory_space<hbm>>)
      tpu.yield
    }) : () -> ()
    %add3A_30 = arith.constant 128 : i32
    %add3A_31 = arith.addi %mul3A_2, %add3A_30 : i32
    "tpu.region"() ({
      %run_scoped3A = tpu.sem_alloc : memref<!tpu.dma_semaphore, #tpu.memory_space<semaphore_mem>>
      %dma_start3A = arith.constant 0 : i32
      %dma_start3A_50 = tpu.memref_slice %arg7[%add3A_31, %dma_start3A] : memref<10112x128xf32, #tpu.memory_space<vmem_shared>> -> memref<128x128xf32, #tpu.memory_space<vmem_shared>>
      %dma_start3A_51 = arith.constant 0 : i32
      %dma_start3A_52 = tpu.memref_slice %arg7[%add3A_31, %dma_start3A_51] : memref<10112x128xf32, #tpu.memory_space<vmem_shared>> -> memref<128x128xf32, #tpu.memory_space<vmem_shared>>
      tpu.enqueue_dma source(%dma_start3A_52 : memref<128x128xf32, #tpu.memory_space<vmem_shared>>) target(%arg10 : memref<128x128xf32, #tpu.memory_space<vmem>>) target_semaphore(%run_scoped3A : memref<!tpu.dma_semaphore, #tpu.memory_space<semaphore_mem>>)
      %dma_wait3A = arith.constant 0 : i32
      %dma_wait3A_53 = tpu.memref_slice %arg7[%add3A_31, %dma_wait3A] : memref<10112x128xf32, #tpu.memory_space<vmem_shared>> -> memref<128x128xf32, #tpu.memory_space<vmem_shared>>
      %dma_wait3A_54 = arith.constant 0 : i32
      %dma_wait3A_55 = tpu.memref_slice %arg7[%add3A_31, %dma_wait3A_54] : memref<10112x128xf32, #tpu.memory_space<vmem_shared>> -> memref<128x128xf32, #tpu.memory_space<vmem_shared>>
      tpu.wait_dma2 semaphore(%run_scoped3A : memref<!tpu.dma_semaphore, #tpu.memory_space<semaphore_mem>>) src(%dma_wait3A_55 : memref<128x128xf32, #tpu.memory_space<vmem_shared>>) dst(%arg10 : memref<128x128xf32, #tpu.memory_space<vmem>>)
      tpu.yield
    }) : () -> ()
    %add3A_32 = arith.constant 128 : i32
    %add3A_33 = arith.addi %mul3A_2, %add3A_32 : i32
    "tpu.region"() ({
      %run_scoped3A = tpu.sem_alloc : memref<!tpu.dma_semaphore, #tpu.memory_space<semaphore_mem>>
      %dma_start3A = arith.constant 0 : i32
      %dma_start3A_50 = tpu.memref_slice %arg6[%arg0, %add3A_33, %dma_start3A] : memref<2x10112x128xf32, #tpu.memory_space<hbm>> -> memref<1x128x128xf32, #tpu.memory_space<hbm>>
      %dma_start3A_51 = tpu.memref_squeeze %dma_start3A_50 : memref<1x128x128xf32, #tpu.memory_space<hbm>> -> memref<128x128xf32, #tpu.memory_space<hbm>>
      %dma_start3A_52 = arith.constant 0 : i32
      %dma_start3A_53 = tpu.memref_slice %arg6[%arg0, %add3A_33, %dma_start3A_52] : memref<2x10112x128xf32, #tpu.memory_space<hbm>> -> memref<1x128x128xf32, #tpu.memory_space<hbm>>
      %dma_start3A_54 = tpu.memref_squeeze %dma_start3A_53 : memref<1x128x128xf32, #tpu.memory_space<hbm>> -> memref<128x128xf32, #tpu.memory_space<hbm>>
      tpu.enqueue_dma source(%arg10 : memref<128x128xf32, #tpu.memory_space<vmem>>) target(%dma_start3A_54 : memref<128x128xf32, #tpu.memory_space<hbm>>) target_semaphore(%run_scoped3A : memref<!tpu.dma_semaphore, #tpu.memory_space<semaphore_mem>>)
      %dma_wait3A = arith.constant 0 : i32
      %dma_wait3A_55 = tpu.memref_slice %arg6[%arg0, %add3A_33, %dma_wait3A] : memref<2x10112x128xf32, #tpu.memory_space<hbm>> -> memref<1x128x128xf32, #tpu.memory_space<hbm>>
      %dma_wait3A_56 = tpu.memref_squeeze %dma_wait3A_55 : memref<1x128x128xf32, #tpu.memory_space<hbm>> -> memref<128x128xf32, #tpu.memory_space<hbm>>
      %dma_wait3A_57 = arith.constant 0 : i32
      %dma_wait3A_58 = tpu.memref_slice %arg6[%arg0, %add3A_33, %dma_wait3A_57] : memref<2x10112x128xf32, #tpu.memory_space<hbm>> -> memref<1x128x128xf32, #tpu.memory_space<hbm>>
      %dma_wait3A_59 = tpu.memref_squeeze %dma_wait3A_58 : memref<1x128x128xf32, #tpu.memory_space<hbm>> -> memref<128x128xf32, #tpu.memory_space<hbm>>
      tpu.wait_dma2 semaphore(%run_scoped3A : memref<!tpu.dma_semaphore, #tpu.memory_space<semaphore_mem>>) src(%arg10 : memref<128x128xf32, #tpu.memory_space<vmem>>) dst(%dma_wait3A_59 : memref<128x128xf32, #tpu.memory_space<hbm>>)
      tpu.yield
    }) : () -> ()
    %add3A_34 = arith.constant 256 : i32
    %add3A_35 = arith.addi %mul3A_2, %add3A_34 : i32
    "tpu.region"() ({
      %run_scoped3A = tpu.sem_alloc : memref<!tpu.dma_semaphore, #tpu.memory_space<semaphore_mem>>
      %dma_start3A = arith.constant 0 : i32
      %dma_start3A_50 = tpu.memref_slice %arg7[%add3A_35, %dma_start3A] : memref<10112x128xf32, #tpu.memory_space<vmem_shared>> -> memref<128x128xf32, #tpu.memory_space<vmem_shared>>
      %dma_start3A_51 = arith.constant 0 : i32
      %dma_start3A_52 = tpu.memref_slice %arg7[%add3A_35, %dma_start3A_51] : memref<10112x128xf32, #tpu.memory_space<vmem_shared>> -> memref<128x128xf32, #tpu.memory_space<vmem_shared>>
      tpu.enqueue_dma source(%dma_start3A_52 : memref<128x128xf32, #tpu.memory_space<vmem_shared>>) target(%arg10 : memref<128x128xf32, #tpu.memory_space<vmem>>) target_semaphore(%run_scoped3A : memref<!tpu.dma_semaphore, #tpu.memory_space<semaphore_mem>>)
      %dma_wait3A = arith.constant 0 : i32
      %dma_wait3A_53 = tpu.memref_slice %arg7[%add3A_35, %dma_wait3A] : memref<10112x128xf32, #tpu.memory_space<vmem_shared>> -> memref<128x128xf32, #tpu.memory_space<vmem_shared>>
      %dma_wait3A_54 = arith.constant 0 : i32
      %dma_wait3A_55 = tpu.memref_slice %arg7[%add3A_35, %dma_wait3A_54] : memref<10112x128xf32, #tpu.memory_space<vmem_shared>> -> memref<128x128xf32, #tpu.memory_space<vmem_shared>>
      tpu.wait_dma2 semaphore(%run_scoped3A : memref<!tpu.dma_semaphore, #tpu.memory_space<semaphore_mem>>) src(%dma_wait3A_55 : memref<128x128xf32, #tpu.memory_space<vmem_shared>>) dst(%arg10 : memref<128x128xf32, #tpu.memory_space<vmem>>)
      tpu.yield
    }) : () -> ()
    %add3A_36 = arith.constant 256 : i32
    %add3A_37 = arith.addi %mul3A_2, %add3A_36 : i32
    "tpu.region"() ({
      %run_scoped3A = tpu.sem_alloc : memref<!tpu.dma_semaphore, #tpu.memory_space<semaphore_mem>>
      %dma_start3A = arith.constant 0 : i32
      %dma_start3A_50 = tpu.memref_slice %arg6[%arg0, %add3A_37, %dma_start3A] : memref<2x10112x128xf32, #tpu.memory_space<hbm>> -> memref<1x128x128xf32, #tpu.memory_space<hbm>>
      %dma_start3A_51 = tpu.memref_squeeze %dma_start3A_50 : memref<1x128x128xf32, #tpu.memory_space<hbm>> -> memref<128x128xf32, #tpu.memory_space<hbm>>
      %dma_start3A_52 = arith.constant 0 : i32
      %dma_start3A_53 = tpu.memref_slice %arg6[%arg0, %add3A_37, %dma_start3A_52] : memref<2x10112x128xf32, #tpu.memory_space<hbm>> -> memref<1x128x128xf32, #tpu.memory_space<hbm>>
      %dma_start3A_54 = tpu.memref_squeeze %dma_start3A_53 : memref<1x128x128xf32, #tpu.memory_space<hbm>> -> memref<128x128xf32, #tpu.memory_space<hbm>>
      tpu.enqueue_dma source(%arg10 : memref<128x128xf32, #tpu.memory_space<vmem>>) target(%dma_start3A_54 : memref<128x128xf32, #tpu.memory_space<hbm>>) target_semaphore(%run_scoped3A : memref<!tpu.dma_semaphore, #tpu.memory_space<semaphore_mem>>)
      %dma_wait3A = arith.constant 0 : i32
      %dma_wait3A_55 = tpu.memref_slice %arg6[%arg0, %add3A_37, %dma_wait3A] : memref<2x10112x128xf32, #tpu.memory_space<hbm>> -> memref<1x128x128xf32, #tpu.memory_space<hbm>>
      %dma_wait3A_56 = tpu.memref_squeeze %dma_wait3A_55 : memref<1x128x128xf32, #tpu.memory_space<hbm>> -> memref<128x128xf32, #tpu.memory_space<hbm>>
      %dma_wait3A_57 = arith.constant 0 : i32
      %dma_wait3A_58 = tpu.memref_slice %arg6[%arg0, %add3A_37, %dma_wait3A_57] : memref<2x10112x128xf32, #tpu.memory_space<hbm>> -> memref<1x128x128xf32, #tpu.memory_space<hbm>>
      %dma_wait3A_59 = tpu.memref_squeeze %dma_wait3A_58 : memref<1x128x128xf32, #tpu.memory_space<hbm>> -> memref<128x128xf32, #tpu.memory_space<hbm>>
      tpu.wait_dma2 semaphore(%run_scoped3A : memref<!tpu.dma_semaphore, #tpu.memory_space<semaphore_mem>>) src(%arg10 : memref<128x128xf32, #tpu.memory_space<vmem>>) dst(%dma_wait3A_59 : memref<128x128xf32, #tpu.memory_space<hbm>>)
      tpu.yield
    }) : () -> ()
    %add3A_38 = arith.constant 384 : i32
    %add3A_39 = arith.addi %mul3A_2, %add3A_38 : i32
    "tpu.region"() ({
      %run_scoped3A = tpu.sem_alloc : memref<!tpu.dma_semaphore, #tpu.memory_space<semaphore_mem>>
      %dma_start3A = arith.constant 0 : i32
      %dma_start3A_50 = tpu.memref_slice %arg7[%add3A_39, %dma_start3A] : memref<10112x128xf32, #tpu.memory_space<vmem_shared>> -> memref<128x128xf32, #tpu.memory_space<vmem_shared>>
      %dma_start3A_51 = arith.constant 0 : i32
      %dma_start3A_52 = tpu.memref_slice %arg7[%add3A_39, %dma_start3A_51] : memref<10112x128xf32, #tpu.memory_space<vmem_shared>> -> memref<128x128xf32, #tpu.memory_space<vmem_shared>>
      tpu.enqueue_dma source(%dma_start3A_52 : memref<128x128xf32, #tpu.memory_space<vmem_shared>>) target(%arg10 : memref<128x128xf32, #tpu.memory_space<vmem>>) target_semaphore(%run_scoped3A : memref<!tpu.dma_semaphore, #tpu.memory_space<semaphore_mem>>)
      %dma_wait3A = arith.constant 0 : i32
      %dma_wait3A_53 = tpu.memref_slice %arg7[%add3A_39, %dma_wait3A] : memref<10112x128xf32, #tpu.memory_space<vmem_shared>> -> memref<128x128xf32, #tpu.memory_space<vmem_shared>>
      %dma_wait3A_54 = arith.constant 0 : i32
      %dma_wait3A_55 = tpu.memref_slice %arg7[%add3A_39, %dma_wait3A_54] : memref<10112x128xf32, #tpu.memory_space<vmem_shared>> -> memref<128x128xf32, #tpu.memory_space<vmem_shared>>
      tpu.wait_dma2 semaphore(%run_scoped3A : memref<!tpu.dma_semaphore, #tpu.memory_space<semaphore_mem>>) src(%dma_wait3A_55 : memref<128x128xf32, #tpu.memory_space<vmem_shared>>) dst(%arg10 : memref<128x128xf32, #tpu.memory_space<vmem>>)
      tpu.yield
    }) : () -> ()
    %add3A_40 = arith.constant 384 : i32
    %add3A_41 = arith.addi %mul3A_2, %add3A_40 : i32
    "tpu.region"() ({
      %run_scoped3A = tpu.sem_alloc : memref<!tpu.dma_semaphore, #tpu.memory_space<semaphore_mem>>
      %dma_start3A = arith.constant 0 : i32
      %dma_start3A_50 = tpu.memref_slice %arg6[%arg0, %add3A_41, %dma_start3A] : memref<2x10112x128xf32, #tpu.memory_space<hbm>> -> memref<1x128x128xf32, #tpu.memory_space<hbm>>
      %dma_start3A_51 = tpu.memref_squeeze %dma_start3A_50 : memref<1x128x128xf32, #tpu.memory_space<hbm>> -> memref<128x128xf32, #tpu.memory_space<hbm>>
      %dma_start3A_52 = arith.constant 0 : i32
      %dma_start3A_53 = tpu.memref_slice %arg6[%arg0, %add3A_41, %dma_start3A_52] : memref<2x10112x128xf32, #tpu.memory_space<hbm>> -> memref<1x128x128xf32, #tpu.memory_space<hbm>>
      %dma_start3A_54 = tpu.memref_squeeze %dma_start3A_53 : memref<1x128x128xf32, #tpu.memory_space<hbm>> -> memref<128x128xf32, #tpu.memory_space<hbm>>
      tpu.enqueue_dma source(%arg10 : memref<128x128xf32, #tpu.memory_space<vmem>>) target(%dma_start3A_54 : memref<128x128xf32, #tpu.memory_space<hbm>>) target_semaphore(%run_scoped3A : memref<!tpu.dma_semaphore, #tpu.memory_space<semaphore_mem>>)
      %dma_wait3A = arith.constant 0 : i32
      %dma_wait3A_55 = tpu.memref_slice %arg6[%arg0, %add3A_41, %dma_wait3A] : memref<2x10112x128xf32, #tpu.memory_space<hbm>> -> memref<1x128x128xf32, #tpu.memory_space<hbm>>
      %dma_wait3A_56 = tpu.memref_squeeze %dma_wait3A_55 : memref<1x128x128xf32, #tpu.memory_space<hbm>> -> memref<128x128xf32, #tpu.memory_space<hbm>>
      %dma_wait3A_57 = arith.constant 0 : i32
      %dma_wait3A_58 = tpu.memref_slice %arg6[%arg0, %add3A_41, %dma_wait3A_57] : memref<2x10112x128xf32, #tpu.memory_space<hbm>> -> memref<1x128x128xf32, #tpu.memory_space<hbm>>
      %dma_wait3A_59 = tpu.memref_squeeze %dma_wait3A_58 : memref<1x128x128xf32, #tpu.memory_space<hbm>> -> memref<128x128xf32, #tpu.memory_space<hbm>>
      tpu.wait_dma2 semaphore(%run_scoped3A : memref<!tpu.dma_semaphore, #tpu.memory_space<semaphore_mem>>) src(%arg10 : memref<128x128xf32, #tpu.memory_space<vmem>>) dst(%dma_wait3A_59 : memref<128x128xf32, #tpu.memory_space<hbm>>)
      tpu.yield
    }) : () -> ()
    %add3A_42 = arith.constant 632 : i32
    %add3A_43 = arith.addi %mul3A_2, %add3A_42 : i32
    %sub3A_44 = arith.constant 120 : i32
    %sub3A_45 = arith.subi %add3A_43, %sub3A_44 : i32
    "tpu.region"() ({
      %run_scoped3A = tpu.sem_alloc : memref<!tpu.dma_semaphore, #tpu.memory_space<semaphore_mem>>
      %dma_start3A = arith.constant 0 : i32
      %dma_start3A_50 = arith.constant 0 : i32
      %dma_start3A_51 = tpu.memref_slice %arg10[%dma_start3A, %dma_start3A_50] : memref<128x128xf32, #tpu.memory_space<vmem>> -> memref<120x128xf32, #tpu.memory_space<vmem>>
      %dma_start3A_52 = arith.constant 0 : i32
      %dma_start3A_53 = tpu.memref_slice %arg7[%sub3A_45, %dma_start3A_52] : memref<10112x128xf32, #tpu.memory_space<vmem_shared>> -> memref<120x128xf32, #tpu.memory_space<vmem_shared>>
      %dma_start3A_54 = arith.constant 0 : i32
      %dma_start3A_55 = arith.constant 0 : i32
      %dma_start3A_56 = tpu.memref_slice %arg10[%dma_start3A_54, %dma_start3A_55] : memref<128x128xf32, #tpu.memory_space<vmem>> -> memref<120x128xf32, #tpu.memory_space<vmem>>
      %dma_start3A_57 = arith.constant 0 : i32
      %dma_start3A_58 = tpu.memref_slice %arg7[%sub3A_45, %dma_start3A_57] : memref<10112x128xf32, #tpu.memory_space<vmem_shared>> -> memref<120x128xf32, #tpu.memory_space<vmem_shared>>
      tpu.enqueue_dma source(%dma_start3A_58 : memref<120x128xf32, #tpu.memory_space<vmem_shared>>) target(%dma_start3A_56 : memref<120x128xf32, #tpu.memory_space<vmem>>) target_semaphore(%run_scoped3A : memref<!tpu.dma_semaphore, #tpu.memory_space<semaphore_mem>>)
      %dma_wait3A = arith.constant 0 : i32
      %dma_wait3A_59 = arith.constant 0 : i32
      %dma_wait3A_60 = tpu.memref_slice %arg10[%dma_wait3A, %dma_wait3A_59] : memref<128x128xf32, #tpu.memory_space<vmem>> -> memref<120x128xf32, #tpu.memory_space<vmem>>
      %dma_wait3A_61 = arith.constant 0 : i32
      %dma_wait3A_62 = tpu.memref_slice %arg7[%sub3A_45, %dma_wait3A_61] : memref<10112x128xf32, #tpu.memory_space<vmem_shared>> -> memref<120x128xf32, #tpu.memory_space<vmem_shared>>
      %dma_wait3A_63 = arith.constant 0 : i32
      %dma_wait3A_64 = arith.constant 0 : i32
      %dma_wait3A_65 = tpu.memref_slice %arg10[%dma_wait3A_63, %dma_wait3A_64] : memref<128x128xf32, #tpu.memory_space<vmem>> -> memref<120x128xf32, #tpu.memory_space<vmem>>
      %dma_wait3A_66 = arith.constant 0 : i32
      %dma_wait3A_67 = tpu.memref_slice %arg7[%sub3A_45, %dma_wait3A_66] : memref<10112x128xf32, #tpu.memory_space<vmem_shared>> -> memref<120x128xf32, #tpu.memory_space<vmem_shared>>
      tpu.wait_dma2 semaphore(%run_scoped3A : memref<!tpu.dma_semaphore, #tpu.memory_space<semaphore_mem>>) src(%dma_wait3A_67 : memref<120x128xf32, #tpu.memory_space<vmem_shared>>) dst(%dma_wait3A_65 : memref<120x128xf32, #tpu.memory_space<vmem>>)
      tpu.yield
    }) : () -> ()
    %add3A_46 = arith.constant 632 : i32
    %add3A_47 = arith.addi %mul3A_2, %add3A_46 : i32
    %sub3A_48 = arith.constant 120 : i32
    %sub3A_49 = arith.subi %add3A_47, %sub3A_48 : i32
    "tpu.region"() ({
      %run_scoped3A = tpu.sem_alloc : memref<!tpu.dma_semaphore, #tpu.memory_space<semaphore_mem>>
      %dma_start3A = arith.constant 0 : i32
      %dma_start3A_50 = arith.constant 0 : i32
      %dma_start3A_51 = tpu.memref_slice %arg10[%dma_start3A, %dma_start3A_50] : memref<128x128xf32, #tpu.memory_space<vmem>> -> memref<120x128xf32, #tpu.memory_space<vmem>>
      %dma_start3A_52 = arith.constant 0 : i32
      %dma_start3A_53 = tpu.memref_slice %arg6[%arg0, %sub3A_49, %dma_start3A_52] : memref<2x10112x128xf32, #tpu.memory_space<hbm>> -> memref<1x120x128xf32, #tpu.memory_space<hbm>>
      %dma_start3A_54 = tpu.memref_squeeze %dma_start3A_53 : memref<1x120x128xf32, #tpu.memory_space<hbm>> -> memref<120x128xf32, #tpu.memory_space<hbm>>
      %dma_start3A_55 = arith.constant 0 : i32
      %dma_start3A_56 = tpu.memref_slice %arg6[%arg0, %sub3A_49, %dma_start3A_55] : memref<2x10112x128xf32, #tpu.memory_space<hbm>> -> memref<1x120x128xf32, #tpu.memory_space<hbm>>
      %dma_start3A_57 = tpu.memref_squeeze %dma_start3A_56 : memref<1x120x128xf32, #tpu.memory_space<hbm>> -> memref<120x128xf32, #tpu.memory_space<hbm>>
      %dma_start3A_58 = arith.constant 0 : i32
      %dma_start3A_59 = arith.constant 0 : i32
      %dma_start3A_60 = tpu.memref_slice %arg10[%dma_start3A_58, %dma_start3A_59] : memref<128x128xf32, #tpu.memory_space<vmem>> -> memref<120x128xf32, #tpu.memory_space<vmem>>
      tpu.enqueue_dma source(%dma_start3A_60 : memref<120x128xf32, #tpu.memory_space<vmem>>) target(%dma_start3A_57 : memref<120x128xf32, #tpu.memory_space<hbm>>) target_semaphore(%run_scoped3A : memref<!tpu.dma_semaphore, #tpu.memory_space<semaphore_mem>>)
      %dma_wait3A = arith.constant 0 : i32
      %dma_wait3A_61 = arith.constant 0 : i32
      %dma_wait3A_62 = tpu.memref_slice %arg10[%dma_wait3A, %dma_wait3A_61] : memref<128x128xf32, #tpu.memory_space<vmem>> -> memref<120x128xf32, #tpu.memory_space<vmem>>
      %dma_wait3A_63 = arith.constant 0 : i32
      %dma_wait3A_64 = tpu.memref_slice %arg6[%arg0, %sub3A_49, %dma_wait3A_63] : memref<2x10112x128xf32, #tpu.memory_space<hbm>> -> memref<1x120x128xf32, #tpu.memory_space<hbm>>
      %dma_wait3A_65 = tpu.memref_squeeze %dma_wait3A_64 : memref<1x120x128xf32, #tpu.memory_space<hbm>> -> memref<120x128xf32, #tpu.memory_space<hbm>>
      %dma_wait3A_66 = arith.constant 0 : i32
      %dma_wait3A_67 = tpu.memref_slice %arg6[%arg0, %sub3A_49, %dma_wait3A_66] : memref<2x10112x128xf32, #tpu.memory_space<hbm>> -> memref<1x120x128xf32, #tpu.memory_space<hbm>>
      %dma_wait3A_68 = tpu.memref_squeeze %dma_wait3A_67 : memref<1x120x128xf32, #tpu.memory_space<hbm>> -> memref<120x128xf32, #tpu.memory_space<hbm>>
      %dma_wait3A_69 = arith.constant 0 : i32
      %dma_wait3A_70 = arith.constant 0 : i32
      %dma_wait3A_71 = tpu.memref_slice %arg10[%dma_wait3A_69, %dma_wait3A_70] : memref<128x128xf32, #tpu.memory_space<vmem>> -> memref<120x128xf32, #tpu.memory_space<vmem>>
      tpu.wait_dma2 semaphore(%run_scoped3A : memref<!tpu.dma_semaphore, #tpu.memory_space<semaphore_mem>>) src(%dma_wait3A_71 : memref<120x128xf32, #tpu.memory_space<vmem>>) dst(%dma_wait3A_68 : memref<120x128xf32, #tpu.memory_space<hbm>>)
      tpu.yield
    }) : () -> ()
    return
  }
}

module attributes {stable_mosaic.version = 14 : i64} {
  func.func @_mlp1_body(%arg0: i32, %arg1: memref<1xf32, #tpu.memory_space<smem>>, %arg2: memref<1000x128xf32, #tpu.memory_space<vmem>>, %arg3: memref<1x1000x128xf32, #tpu.memory_space<vmem>>, %arg4: memref<1x1000x128xf32, #tpu.memory_space<vmem>>, %arg5: memref<128x128xf32, #tpu.memory_space<vmem>>, %arg6: memref<1x128xf32, #tpu.memory_space<vmem>>, %arg7: memref<1000x128xf32, #tpu.memory_space<vmem>>) attributes {dimension_semantics = [#tpu.dimension_semantics<arbitrary>], iteration_bounds = array<i64: 10>, scalar_prefetch = 0 : i64, scratch_operands = 0 : i64, tpu.core_type = #tpu.core_type<tc>, window_params = [{transform_indices = @transform_0, window_bounds = array<i64: 1>}, {transform_indices = @transform_1, window_bounds = array<i64: 1000, 128>}, {transform_indices = @transform_2, window_bounds = array<i64: 1, 1000, 128>}, {transform_indices = @transform_3, window_bounds = array<i64: 1, 1000, 128>}, {pipeline_mode = #tpu.pipeline_mode<synchronous>, transform_indices = @transform_4, window_bounds = array<i64: 128, 128>}, {pipeline_mode = #tpu.pipeline_mode<synchronous>, transform_indices = @transform_5, window_bounds = array<i64: 1, 128>}, {transform_indices = @transform_6, window_bounds = array<i64: 1000, 128>}]} {
    %get3A = arith.constant 0 : index
    %get3A_0 = memref.load %arg1[%get3A] : memref<1xf32, #tpu.memory_space<smem>>
    %add3A = arith.constant 1.000000e+00 : f32
    %add3A_1 = arith.addf %add3A, %get3A_0 : f32
    %get3A_2 = arith.constant 0 : index
    %get3A_3 = arith.constant 0 : index
    %get3A_4 = vector.load %arg2[%get3A_2, %get3A_3] : memref<1000x128xf32, #tpu.memory_space<vmem>>, vector<1000x128xf32>
    %mul3A = vector.broadcast %add3A_1 : f32 to vector<1000x128xf32>
    %mul3A_5 = arith.mulf %mul3A, %get3A_4 : vector<1000x128xf32>
    %get3A_6 = arith.constant 0 : index
    %get3A_7 = arith.constant 0 : index
    %get3A_8 = arith.constant 0 : index
    %get3A_9 = vector.load %arg3[%get3A_6, %get3A_7, %get3A_8] : memref<1x1000x128xf32, #tpu.memory_space<vmem>>, vector<1x1000x128xf32>
    %get3A_10 = vector.shape_cast %get3A_9 : vector<1x1000x128xf32> to vector<1000x128xf32>
    %add3A_11 = arith.addf %mul3A_5, %get3A_10 : vector<1000x128xf32>
    %get3A_12 = arith.constant 0 : index
    %get3A_13 = arith.constant 0 : index
    %get3A_14 = arith.constant 0 : index
    %get3A_15 = vector.load %arg4[%get3A_12, %get3A_13, %get3A_14] : memref<1x1000x128xf32, #tpu.memory_space<vmem>>, vector<1x1000x128xf32>
    %get3A_16 = vector.shape_cast %get3A_15 : vector<1x1000x128xf32> to vector<1000x128xf32>
    %add3A_17 = arith.addf %add3A_11, %get3A_16 : vector<1000x128xf32>
    %get3A_18 = arith.constant 0 : index
    %get3A_19 = arith.constant 0 : index
    %get3A_20 = vector.load %arg5[%get3A_18, %get3A_19] : memref<128x128xf32, #tpu.memory_space<vmem>>, vector<128x128xf32>
    %dot_general3A = arith.constant dense<0.000000e+00> : vector<1000x128xf32>
    %dot_general3A_21 = tpu.matmul %add3A_17, %get3A_20, %dot_general3A {dimension_numbers = #tpu.dot_dimension_numbers<[1], [0], [0], [1], [0, 0, 1, 1], [], []>, precision = #tpu.contract_precision<fp32>, transpose_lhs_hint = false} : vector<1000x128xf32>, vector<128x128xf32>, vector<1000x128xf32> -> vector<1000x128xf32>
    %get3A_22 = arith.constant 0 : index
    %get3A_23 = arith.constant 0 : index
    %get3A_24 = vector.load %arg6[%get3A_22, %get3A_23] : memref<1x128xf32, #tpu.memory_space<vmem>>, vector<1x128xf32>
    %add3A_25 = vector.broadcast %get3A_24 : vector<1x128xf32> to vector<1000x128xf32>
    %add3A_26 = arith.addf %dot_general3A_21, %add3A_25 : vector<1000x128xf32>
    %swap3A = arith.constant 0 : index
    %swap3A_27 = arith.constant 0 : index
    %swap3A_28 = vector.load %arg7[%swap3A, %swap3A_27] : memref<1000x128xf32, #tpu.memory_space<vmem>>, vector<1000x128xf32>
    tpu.vector_store %arg7[%swap3A, %swap3A_27], %add3A_26 {strides = array<i32>} : memref<1000x128xf32, #tpu.memory_space<vmem>>, vector<1000x128xf32>,
    return
  }
  func.func @transform_0(%arg0: i32) -> i32 {
    %c0_i32 = arith.constant 0 : i32
    %c0_i32_0 = arith.constant 0 : i32
    return %c0_i32 : i32
  }
  func.func @transform_1(%arg0: i32) -> (i32, i32) {
    %c0_i32 = arith.constant 0 : i32
    %c0_i32_0 = arith.constant 0 : i32
    return %arg0, %c0_i32 : i32, i32
  }
  func.func @transform_2(%arg0: i32) -> (i32, i32, i32) {
    %c0_i32 = arith.constant 0 : i32
    %c0_i32_0 = arith.constant 0 : i32
    %c0_i32_1 = arith.constant 0 : i32
    return %c0_i32, %arg0, %c0_i32_0 : i32, i32, i32
  }
  func.func @transform_3(%arg0: i32) -> (i32, i32, i32) {
    %c1_i32 = arith.constant 1 : i32
    %c0_i32 = arith.constant 0 : i32
    %c0_i32_0 = arith.constant 0 : i32
    return %c1_i32, %arg0, %c0_i32 : i32, i32, i32
  }
  func.func @transform_4(%arg0: i32) -> (i32, i32) {
    %c0_i32 = arith.constant 0 : i32
    %c0_i32_0 = arith.constant 0 : i32
    %c0_i32_1 = arith.constant 0 : i32
    return %c0_i32, %c0_i32_0 : i32, i32
  }
  func.func @transform_5(%arg0: i32) -> (i32, i32) {
    %c0_i32 = arith.constant 0 : i32
    %c0_i32_0 = arith.constant 0 : i32
    %c0_i32_1 = arith.constant 0 : i32
    return %c0_i32, %c0_i32_0 : i32, i32
  }
  func.func @transform_6(%arg0: i32) -> (i32, i32) {
    %c0_i32 = arith.constant 0 : i32
    %c0_i32_0 = arith.constant 0 : i32
    return %arg0, %c0_i32 : i32, i32
  }
}

module attributes {stable_mosaic.version = 14 : i64} {
  func.func @_mlp2_body(%arg0: i32, %arg1: memref<1xf32, #tpu.memory_space<smem>>, %arg2: memref<1000x128xf32, #tpu.memory_space<vmem>>, %arg3: memref<1x1000x128xf32, #tpu.memory_space<vmem>>, %arg4: memref<1x1000x128xf32, #tpu.memory_space<vmem>>, %arg5: memref<128x128xf32, #tpu.memory_space<vmem>>, %arg6: memref<1x128xf32, #tpu.memory_space<vmem>>, %arg7: memref<128x128xf32, #tpu.memory_space<vmem>>, %arg8: memref<1x128xf32, #tpu.memory_space<vmem>>, %arg9: memref<1000x128xf32, #tpu.memory_space<vmem>>) attributes {dimension_semantics = [#tpu.dimension_semantics<arbitrary>], iteration_bounds = array<i64: 10>, scalar_prefetch = 0 : i64, scratch_operands = 0 : i64, tpu.core_type = #tpu.core_type<tc>, window_params = [{transform_indices = @transform_0, window_bounds = array<i64: 1>}, {transform_indices = @transform_1, window_bounds = array<i64: 1000, 128>}, {transform_indices = @transform_2, window_bounds = array<i64: 1, 1000, 128>}, {transform_indices = @transform_3, window_bounds = array<i64: 1, 1000, 128>}, {pipeline_mode = #tpu.pipeline_mode<synchronous>, transform_indices = @transform_4, window_bounds = array<i64: 128, 128>}, {pipeline_mode = #tpu.pipeline_mode<synchronous>, transform_indices = @transform_5, window_bounds = array<i64: 1, 128>}, {pipeline_mode = #tpu.pipeline_mode<synchronous>, transform_indices = @transform_6, window_bounds = array<i64: 128, 128>}, {pipeline_mode = #tpu.pipeline_mode<synchronous>, transform_indices = @transform_7, window_bounds = array<i64: 1, 128>}, {transform_indices = @transform_8, window_bounds = array<i64: 1000, 128>}]} {
    %get3A = arith.constant 0 : index
    %get3A_0 = arith.constant 0 : index
    %get3A_1 = vector.load %arg2[%get3A, %get3A_0] : memref<1000x128xf32, #tpu.memory_space<vmem>>, vector<1000x128xf32>
    %get3A_2 = arith.constant 0 : index
    %get3A_3 = arith.constant 0 : index
    %get3A_4 = vector.load %arg5[%get3A_2, %get3A_3] : memref<128x128xf32, #tpu.memory_space<vmem>>, vector<128x128xf32>
    %dot_general3A = arith.constant dense<0.000000e+00> : vector<1000x128xf32>
    %dot_general3A_5 = tpu.matmul %get3A_1, %get3A_4, %dot_general3A {dimension_numbers = #tpu.dot_dimension_numbers<[1], [0], [0], [1], [0, 0, 1, 1], [], []>, precision = #tpu.contract_precision<fp32>, transpose_lhs_hint = false} : vector<1000x128xf32>, vector<128x128xf32>, vector<1000x128xf32> -> vector<1000x128xf32>
    %get3A_6 = arith.constant 0 : index
    %get3A_7 = arith.constant 0 : index
    %get3A_8 = vector.load %arg6[%get3A_6, %get3A_7] : memref<1x128xf32, #tpu.memory_space<vmem>>, vector<1x128xf32>
    %add3A = vector.broadcast %get3A_8 : vector<1x128xf32> to vector<1000x128xf32>
    %add3A_9 = arith.addf %dot_general3A_5, %add3A : vector<1000x128xf32>
    %get3A_10 = arith.constant 0 : index
    %get3A_11 = memref.load %arg1[%get3A_10] : memref<1xf32, #tpu.memory_space<smem>>
    %add3A_12 = arith.constant 1.000000e+00 : f32
    %add3A_13 = arith.addf %add3A_12, %get3A_11 : f32
    %mul3A = vector.broadcast %add3A_13 : f32 to vector<1000x128xf32>
    %mul3A_14 = arith.mulf %mul3A, %add3A_9 : vector<1000x128xf32>
    %get3A_15 = arith.constant 0 : index
    %get3A_16 = arith.constant 0 : index
    %get3A_17 = arith.constant 0 : index
    %get3A_18 = vector.load %arg3[%get3A_15, %get3A_16, %get3A_17] : memref<1x1000x128xf32, #tpu.memory_space<vmem>>, vector<1x1000x128xf32>
    %get3A_19 = vector.shape_cast %get3A_18 : vector<1x1000x128xf32> to vector<1000x128xf32>
    %add3A_20 = arith.addf %mul3A_14, %get3A_19 : vector<1000x128xf32>
    %get3A_21 = arith.constant 0 : index
    %get3A_22 = arith.constant 0 : index
    %get3A_23 = arith.constant 0 : index
    %get3A_24 = vector.load %arg4[%get3A_21, %get3A_22, %get3A_23] : memref<1x1000x128xf32, #tpu.memory_space<vmem>>, vector<1x1000x128xf32>
    %get3A_25 = vector.shape_cast %get3A_24 : vector<1x1000x128xf32> to vector<1000x128xf32>
    %add3A_26 = arith.addf %add3A_20, %get3A_25 : vector<1000x128xf32>
    %get3A_27 = arith.constant 0 : index
    %get3A_28 = arith.constant 0 : index
    %get3A_29 = vector.load %arg7[%get3A_27, %get3A_28] : memref<128x128xf32, #tpu.memory_space<vmem>>, vector<128x128xf32>
    %dot_general3A_30 = arith.constant dense<0.000000e+00> : vector<1000x128xf32>
    %dot_general3A_31 = tpu.matmul %add3A_26, %get3A_29, %dot_general3A_30 {dimension_numbers = #tpu.dot_dimension_numbers<[1], [0], [0], [1], [0, 0, 1, 1], [], []>, precision = #tpu.contract_precision<fp32>, transpose_lhs_hint = false} : vector<1000x128xf32>, vector<128x128xf32>, vector<1000x128xf32> -> vector<1000x128xf32>
    %get3A_32 = arith.constant 0 : index
    %get3A_33 = arith.constant 0 : index
    %get3A_34 = vector.load %arg8[%get3A_32, %get3A_33] : memref<1x128xf32, #tpu.memory_space<vmem>>, vector<1x128xf32>
    %add3A_35 = vector.broadcast %get3A_34 : vector<1x128xf32> to vector<1000x128xf32>
    %add3A_36 = arith.addf %dot_general3A_31, %add3A_35 : vector<1000x128xf32>
    %swap3A = arith.constant 0 : index
    %swap3A_37 = arith.constant 0 : index
    %swap3A_38 = vector.load %arg9[%swap3A, %swap3A_37] : memref<1000x128xf32, #tpu.memory_space<vmem>>, vector<1000x128xf32>
    tpu.vector_store %arg9[%swap3A, %swap3A_37], %add3A_36 {strides = array<i32>} : memref<1000x128xf32, #tpu.memory_space<vmem>>, vector<1000x128xf32>,
    return
  }
  func.func @transform_0(%arg0: i32) -> i32 {
    %c0_i32 = arith.constant 0 : i32
    %c0_i32_0 = arith.constant 0 : i32
    return %c0_i32 : i32
  }
  func.func @transform_1(%arg0: i32) -> (i32, i32) {
    %c0_i32 = arith.constant 0 : i32
    %c0_i32_0 = arith.constant 0 : i32
    return %arg0, %c0_i32 : i32, i32
  }
  func.func @transform_2(%arg0: i32) -> (i32, i32, i32) {
    %c0_i32 = arith.constant 0 : i32
    %c0_i32_0 = arith.constant 0 : i32
    %c0_i32_1 = arith.constant 0 : i32
    return %c0_i32, %arg0, %c0_i32_0 : i32, i32, i32
  }
  func.func @transform_3(%arg0: i32) -> (i32, i32, i32) {
    %c1_i32 = arith.constant 1 : i32
    %c0_i32 = arith.constant 0 : i32
    %c0_i32_0 = arith.constant 0 : i32
    return %c1_i32, %arg0, %c0_i32 : i32, i32, i32
  }
  func.func @transform_4(%arg0: i32) -> (i32, i32) {
    %c0_i32 = arith.constant 0 : i32
    %c0_i32_0 = arith.constant 0 : i32
    %c0_i32_1 = arith.constant 0 : i32
    return %c0_i32, %c0_i32_0 : i32, i32
  }
  func.func @transform_5(%arg0: i32) -> (i32, i32) {
    %c0_i32 = arith.constant 0 : i32
    %c0_i32_0 = arith.constant 0 : i32
    %c0_i32_1 = arith.constant 0 : i32
    return %c0_i32, %c0_i32_0 : i32, i32
  }
  func.func @transform_6(%arg0: i32) -> (i32, i32) {
    %c0_i32 = arith.constant 0 : i32
    %c0_i32_0 = arith.constant 0 : i32
    %c0_i32_1 = arith.constant 0 : i32
    return %c0_i32, %c0_i32_0 : i32, i32
  }
  func.func @transform_7(%arg0: i32) -> (i32, i32) {
    %c0_i32 = arith.constant 0 : i32
    %c0_i32_0 = arith.constant 0 : i32
    %c0_i32_1 = arith.constant 0 : i32
    return %c0_i32, %c0_i32_0 : i32, i32
  }
  func.func @transform_8(%arg0: i32) -> (i32, i32) {
    %c0_i32 = arith.constant 0 : i32
    %c0_i32_0 = arith.constant 0 : i32
    return %arg0, %c0_i32 : i32, i32
  }
}

</mosaic_0001>

<sc_bundles>
// kernel: kernel.6.cloned.1.call-start
scs
__scs_entry_jumppad:
0x0: {  	(pc) =	sbr.rel $0x88, $3  }
0x1: {  	(tag) =	ssettag $0x0;
	lr =	simm.s32 $0x1  }
0x2: {  	[smem:$0x3F95] =	sst lr;
	_ =	strace $0xD0000000  }
0x3: {  	_ = 	snop  }
0x4: {  	_ = 	snop  }
0x5: {  	_ = 	snop  }
0x6: {  	_ = 	snop  }
0x7: {  	_ = 	snop  }
__scs_overlays_trampoline_lowered:
0x8: {  	[smem:$0x3FA4] =	sst s0  }
0x9: {  	[smem:$0x3FA5] =	sst s1  }
0xa: {  	[smem:$0x3FA6] =	sst s2  }
0xb: {  	[smem:$0x3FA7] =	sst s3  }
0xc: {  	[smem:$0x3FA8] =	sst s4  }
0xd: {  	[smem:$0x3FA9] =	sst s5  }
0xe: {  	[smem:$0x3FAA] =	sst s6  }
0xf: {  	[smem:$0x3FAB] =	sst s7  }
0x10: {  	[smem:$0x3FAC] =	sst s8  }
0x11: {  	[smem:$0x3FAD] =	sst s9;
	s0 =	simm.s32 @!p0 $0x0  }
0x12: {  	s1 =	sld [smem:$0x3F93];
	s0 =	simm.s32 @p0 $0x1  }
0x13: {  	[smem:$0x3FAE] =	sst s0;
	s0 =	simm.s32 @!p1 $0x0  }
0x14: {  	s2 =	sld [smem:$0x3F92];
	s0 =	simm.s32 @p1 $0x1  }
0x15: {  	[smem:$0x3FAF] =	sst s0;
	s0 =	simm.s32 @!p2 $0x0  }
0x16: {  	s3 =	sld [smem:$0x3FDB];
	s0 =	simm.s32 @p2 $0x1  }
0x17: {  	s4 =	simm.s32 $0x1BF5;
	[smem:$0x3FB1] =	sst s0  }
0x18: {  	s0 =	sld [smem:$0x3F94];
	_ =	swait.ge [sflag:s4], $0x0  }
0x19: {  	s7 =	sld [smem:$0x3F95]  }
0x1a: {  	s8 =	sadd.s32 $0xFFFFE003, lr  }
0x1b: {  	s9 =	sadd.s32 $0xFFFFFEF7, lr;
	s5 =	simm.s32 $0xFFFFFFFF;
	p2 =	slt.u32 s8, $0xFFFFF086  }
0x1c: {  	p1 =	slt.u32 s9, $0xF7A;
	s5 =	simm.s32 @!p2 $0x0  }
0x1d: {  	s5 =	simm.s32 @p1 $0x1;
	p0 =	seq.s32 s7, s2  }
0x1e: {  	s7 =	smul.u32 @!p0 $0xF7A, s2;
	p2 =	seq.s32 @!p0 s5, $0x0  }
0x1f: {  	s9 =	smul.u32 $0xF7A, s1;
	s8 =	simm.s32 @!p0 $0x1BF5;
	p2 =	por !p2, p0  }
0x20: {  	[sflag:s8] =	ssyncset.s32 @!p0 $0xFFFFF086;
	s6 =	sadd.s32 @!p0 s3, s7;
	s7 =	simm.s32 @!p0 $0x108  }
0x21: {  	s3 =	sadd.s32 s3, s9;
	s6 =	sadd.s32 @!p0 $0x88, s6;
	s7 =	simm.s32 @p2 $0x1082  }
0x22: {  	[simem:s7], [sflag:s8] =	dma.local @!p0 [hbm:s6], $0xF7A  }
0x23: {  	s9 =	sor.u32 $0xD0000000, s2;
	s6 =	simm.s32 $0x108;
	_ =	swait.ge @!p0 [sflag:s8], $0x0  }
0x24: {  	s3 =	sadd.s32 $0x88, s3;
	s6 =	simm.s32 @!p1 $0x1082;
	[sflag:s4] =	ssyncset.s32 $0xFFFFF086  }
0x25: {  	[simem:s6], [sflag:s4] =	dma.local [hbm:s3], $0xF7A  }
0x26: {  	[smem:$0x3F95] =	sst s1;
	(tag) =	ssettag s2;
	_ =	strace s9  }
0x27: {  	s1 =	sld [smem:$0x3FA5]  }
0x28: {  	s2 =	sld [smem:$0x3FA6]  }
0x29: {  	s4 =	sld [smem:$0x3FA8]  }
0x2a: {  	p0 =	seq.s32 s5, $0x0;
	s5 =	sld [smem:$0x3FA9]  }
0x2b: {  	s6 =	sld [smem:$0x3FAA]  }
0x2c: {  	s7 =	sld [smem:$0x3FAB]  }
0x2d: {  	s3 =	simm.s32 $0x108;
	s8 =	sld [smem:$0x3FAC]  }
0x2e: {  	s3 =	simm.s32 @!p0 $0x1082;
	s9 =	sld [smem:$0x3FAD]  }
0x2f: {  	lr =	sadd.s32 s0, s3;
	s0 =	sld [smem:$0x3FA4]  }
0x30: {  	s3 =	sld [smem:$0x3FA7]  }
0x31: {  	[smem:$0x3FB0] =	sst s10  }
0x32: {  	s10 =	sld [smem:$0x3FAE];
	_ =	sdelay $0x3  }
0x33: {  	p0 =	seq.s32 s10, $0x1;
	s10 =	sld [smem:$0x3FB0];
	_ =	sdelay $0x3  }
0x34: {  	[smem:$0x3FB0] =	sst s10  }
0x35: {  	s10 =	sld [smem:$0x3FAF];
	_ =	sdelay $0x3  }
0x36: {  	p1 =	seq.s32 s10, $0x1;
	s10 =	sld [smem:$0x3FB0];
	_ =	sdelay $0x3  }
0x37: {  	[smem:$0x3FB0] =	sst s10  }
0x38: {  	s10 =	sld [smem:$0x3FB1]  }
0x39: {  	_ = 	snop;
	(pc) =	sbr.ind lr, $3  }
0x3a: {  	_ = 	snop  }
0x3b: {  	_ = 	snop  }
0x3c: {  	p2 =	seq.s32 s10, $0x1;
	s10 =	sld [smem:$0x3FB0]  }
0x3d: {  	_ =	shalt  }
0x3e: {  	_ =	shalt  }
0x3f: {  	_ =	shalt  }
0x40: {  	_ =	shalt  }
0x41: {  	_ =	shalt  }
0x42: {  	_ =	shalt  }
0x43: {  	_ =	shalt  }
0x44: {  	_ =	shalt  }
0x45: {  	_ =	shalt  }
0x46: {  	_ =	shalt  }
0x47: {  	_ =	shalt  }
0x48: {  	_ =	shalt  }
0x49: {  	_ =	shalt  }
0x4a: {  	_ =	shalt  }
0x4b: {  	_ =	shalt  }
0x4c: {  	_ =	shalt  }
0x4d: {  	_ =	shalt  }
0x4e: {  	_ =	shalt  }
0x4f: {  	_ =	shalt  }
0x50: {  	_ =	shalt  }
0x51: {  	_ =	shalt  }
0x52: {  	_ =	shalt  }
0x53: {  	_ =	shalt  }
0x54: {  	_ =	shalt  }
0x55: {  	_ =	shalt  }
0x56: {  	_ =	shalt  }
0x57: {  	_ =	shalt  }
0x58: {  	_ =	shalt  }
0x59: {  	_ =	shalt  }
0x5a: {  	_ =	shalt  }
0x5b: {  	_ =	shalt  }
0x5c: {  	_ =	shalt  }
0x5d: {  	_ =	shalt  }
0x5e: {  	_ =	shalt  }
0x5f: {  	_ =	shalt  }
0x60: {  	_ =	shalt  }
0x61: {  	_ =	shalt  }
0x62: {  	_ =	shalt  }
0x63: {  	_ =	shalt  }
0x64: {  	_ =	shalt  }
0x65: {  	_ =	shalt  }
0x66: {  	_ =	shalt  }
0x67: {  	_ =	shalt  }
0x68: {  	_ =	shalt  }
0x69: {  	_ =	shalt  }
0x6a: {  	_ =	shalt  }
0x6b: {  	_ =	shalt  }
0x6c: {  	_ =	shalt  }
0x6d: {  	_ =	shalt  }
0x6e: {  	_ =	shalt  }
0x6f: {  	_ =	shalt  }
0x70: {  	_ =	shalt  }
0x71: {  	_ =	shalt  }
0x72: {  	_ =	shalt  }
0x73: {  	_ =	shalt  }
0x74: {  	_ =	shalt  }
0x75: {  	_ =	shalt  }
0x76: {  	_ =	shalt  }
0x77: {  	_ =	shalt  }
0x78: {  	_ =	shalt  }
0x79: {  	_ =	shalt  }
0x7a: {  	_ =	shalt  }
0x7b: {  	_ =	shalt  }
0x7c: {  	_ =	shalt  }
0x7d: {  	_ =	shalt  }
0x7e: {  	_ =	shalt  }
0x7f: {  	_ =	shalt  }
0x80: {  	_ =	shalt  }
0x81: {  	_ =	shalt  }
0x82: {  	_ =	shalt  }
0x83: {  	_ =	shalt  }
0x84: {  	_ =	shalt  }
0x85: {  	_ =	shalt  }
0x86: {  	_ =	shalt  }
0x87: {  	_ =	shalt  }
.Lfunc_end0:
.L_simem_size_0:
called_computation_lowered:
.L_overlay_start_0:
0x88: {  	s2 =	sld [smem:$0x3FD9]  }
0x89: {  	s3 =	sld [smem:$0x3FFE];
	_ =	sdelay $0x1  }
0x8a: {  	s1 =	srdreg.scid  }
0x8b: {  	s0 =	sand.u32 $0x1, s1  }
0x8c: {  	s14 =	sshll.u32 s0, $0xA;
	s2 =	sadd.s32 s3, s2  }
0x8d: {  	s2 =	sadd.s32 s2, s14  }
0x8e: {  	[smem:$0x3FBC] =	sst s2  }
0x8f: {  	_ = 	snop  }
0x90: {  	s2 =	sld [smem:$0x3FD0];
	_ =	sdelay $0x2  }
0x91: {  	s4 =	simm.s32 $0xA;
	s5 =	simm.s32 $0x10;
	s15 =	sld [smem:$0x3FC9]  }
0x92: {  	[smem:s5], [sflag:s4] =	dma.local [hbm:s2], $0x1  }
0x93: {  	_ =	swait.eq [sflag:s4], $0x1  }
0x94: {  	[sflag:s4] =	ssyncset.done $0x0  }
0x95: {  	s16 =	sld [smem:$0x10];
	[sflag:s4] =	ssyncadd.s32 $0xFFFFFFFF  }
0x96: {  	s17 =	sld [smem:$0x11];
	(tm) =	ssettm $0x1  }
0x97: {  	s18 =	sld [smem:$0x3FFB];
	_ =	sdelay $0x3  }
0x98: {  	_ =	strace s18  }
0x99: {  	s5 =	sld [smem:$0x3FFC];
	_ =	sdelay $0x3  }
0x9a: {  	_ =	strace s5  }
0x9b: {  	s5 =	sld [smem:$0x3FFD];
	_ =	sdelay $0x3  }
0x9c: {  	_ =	strace s5  }
0x9d: {  	_ =	strace $0x8FFFFFFF  }
0x9e: {  	s19 =	sld [smem:$0x3FDB];
	_ =	sdelay $0x1  }
0x9f: {  	s6 =	simm.s32 $_scs_section_size  }
0xa0: {  	s7 =	simm.s32 $_size__tile_overlayer_lowered;
	s8 =	simm.s32 $_tile_overlayer_lowered  }
0xa1: {  	s22 =	simm.s32 $0x1BFF;
	s21 =	sshll.u32 s8, $0x1;
	s5 =	sadd.s32 s6, s19  }
0xa2: {  	s9 =	simm.s32 $0x0;
	s20 =	sshll.u32 s7, $0x1;
	s7 =	sadd.s32 s21, s5  }
0xa3: {  	[timem:s9], [sflag:s22] =	dma.local [hbm:s7], s20  }
0xa4: {  	_ =	swait.ge [sflag:s22], s20  }
0xa5: {  	s6 =	ssub.s32 $0x0, s20;
	[sflag:s22] =	ssyncset.done $0x0  }
0xa6: {  	[sflag:s22] =	ssyncadd.s32 s6;
	_ =	sdelay $0x1  }
0xa7: {  	s23 =	simm.s32 $0x1B8B  }
0xa8: {  	_ =	swait.ge [sflag:s23], $0x1  }
0xa9: {  	[sflag:s23] =	ssyncset.done $0x0  }
0xaa: {  	s25 =	simm.s32 $0x1B8E;
	s24 =	sld [smem:$0x3FFE];
	[sflag:s23] =	ssyncadd.s32 $0xFFFFFFFF  }
0xab: {  	s26 =	simm.s32 $execute0_lowered;
	[smem:$0x3FD2] =	sst s25  }
0xac: {  	s7 =	sshll.u32 s26, $0x1;
	_ =	strace $0x80000046;
	[dreg:$0x1] =	wrdreg $0xFFFFFFFF  }
0xad: {  	s28 =	simm.s32 $_size_execute0_lowered;
	s5 =	sadd.s32 s5, s7;
	[dreg:$0x0] =	wrdreg $0x0  }
0xae: {  	s7 =	sshll.u32 s28, $0x1;
	[dreg:$0x2] =	wrdreg s5  }
0xaf: {  	[dreg:$0x3] =	wrdreg s7  }
0xb0: {  	[dreg:$0x4] =	wrdreg $0xC0  }
0xb1: {  	_ =	task [dreg:s9], $0x5FFFF  }
0xb2: {  	[dreg:$0x1] =	wrdreg $0xFFFFFFFF  }
0xb3: {  	[dreg:$0x0] =	wrdreg $0x60  }
0xb4: {  	[dreg:$0x2] =	wrdreg s15  }
0xb5: {  	[dreg:$0x3] =	wrdreg s16  }
0xb6: {  	[dreg:$0x4] =	wrdreg s17  }
0xb7: {  	[dreg:$0x5] =	wrdreg s24  }
0xb8: {  	[dreg:$0x6] =	wrdreg $0x0  }
0xb9: {  	[dreg:$0x7] =	wrdreg $0x9  }
0xba: {  	_ =	task.clear_ibuf [dreg:s9], $0x8FFFF;
	_ =	strace $0x90000046  }
0xbb: {  	s29 =	simm.s32 $0x9;
	_ =	strace $0x80000048  }
0xbc: {  	_ =	swait.ge [sflag:s29], $0x1  }
0xbd: {  	[sflag:s29] =	ssyncadd.s32 $0xFFFFFFFF  }
0xbe: {  	_ =	strace $0x90000048  }
0xbf: {  	_ =	sfence  }
0xc0: {  	s30 =	sld [smem:$0x0];
	_ =	sdelay $0x2  }
0xc1: {  	s31 =	sshll.u32 s1, $0xD;
	s1 =	sshrl.u32 s1, $0x2  }
0xc2: {  	s3 =	sand.u32 $0x4000, s31;
	s1 =	sadd.s32 s1, s30  }
0xc3: {  	s0 =	sor.u32 s3, s0;
	s1 =	sshll.u32 s1, $0x11  }
0xc4: {  	s0 =	sor.u32 s1, s0  }
0xc5: {  	s0 =	sadd.s32 $0x8F2B, s0  }
0xc6: {  	[sflag:s0] =	ssyncadd.remote.s32 $0x1  }
0xc7: {  	_ =	sfence.sel $0xFFFF  }
0xc8: {  	[dreg:$0x0] =	wrdreg $0xFFFFFFFF;
	(pc) =	sbr.abs _section_cstart, $3  }
0xc9: {  	[dreg:$0x1] =	wrdreg $0xFFFFFFFF  }
0xca: {  	_ =	task.clear_ibuf [dreg:s9], $0x2FFFF;
	_ =	strace $0x9FFFFFFF  }
0xcb: {  	(tm) =	ssettm $0x7FFFFFFF  }
tec
execute0_lowered:
.L_overlay_start_1:
0x0: {  	(tag) =	ssettag $0x1  }
0x1: {  	s1 =	rddreg [dreg:$0x0]  }
0x2: {  	s12 =	rddreg [dreg:$0x1]  }
0x3: {  	s11 =	rddreg [dreg:$0x2]  }
0x4: {  	s6 =	rddreg [dreg:$0x3]  }
0x5: {  	s2 =	rddreg [dreg:$0x4]  }
0x6: {  	s0 =	rddreg [dreg:$0x5];
	s4 =	simm.s32 $0x0  }
0x7: {  	s5 =	srdreg.scid;
	s3 =	stileid.u32;
	s23 =	simm.s32 $0x0  }
0x8: {  	[smem:$0x7FF] =	sst s4;
	s13 =	sand.u32 $0x1, s5;
	s7 =	smul.u32 $0x4F000, s3  }
0x9: {  	s5 =	sadd.s32 $0x2200, s6;
	s18 =	sadd.s32 $0x2A00, s6;
	s14 =	smul.u32 $0x13C00, s3  }
0xa: {  	_ =	strace $0x80000047;
	s28 =	ssub.s32 $0x2, s13;
	s29 =	sshll.u32 s13, $0x4  }
0xb: {  	s22 =	smul.u32 $0x13C000, s13;
	p0 =	seq.s32 s13, $0x0;
	s13 =	simm.s32 $0x70  }
0xc: {  	s8 =	sshrl.u32 s28, $0x1;
	s7 =	sshrl.u32 s7, $0x2;
	s15 =	sadd.s32 $0x4000, s14  }
0xd: {  	s16 =	sadd.s32 $0x8000, s14;
	s9 =	sor.u32 s3, s29;
	s20 =	sadd.s32 $0xC000, s14  }
0xe: {  	s21 =	sadd.s32 $0x10000, s14;
	s13 =	simm.s32 @!p0 $0x2E;
	s19 =	ssub.s32 s28, s8  }
0xf: {  	s6 =	sadd.s32 s7, s2;
	s7 =	sadd.s32 s15, s2;
	s8 =	sadd.s32 s16, s2  }
0x10: {  	s17 =	smul.u32 $0x700, s9;
	s9 =	sadd.s32 s20, s2;
	s10 =	sadd.s32 s21, s2  }
0x11: {  	s14 =	sadd.s32 s14, s22;
	s15 =	sadd.s32 s22, s15;
	s16 =	sadd.s32 s22, s16  }
0x12: {  	s30 =	sadd.s32 s22, s20;
	s31 =	sadd.s32 s22, s21;
	s21 =	simm.s32 $0x1  }
0x13: {  	s22 =	simm.s32 $0x80;
	s14 =	sshrl.u32 s14, $0x3;
	s15 =	sshrl.u32 s15, $0x3  }
0x14: {  	s16 =	sshrl.u32 s16, $0x3;
	s20 =	sshrl.u32 s31, $0x3;
	s19 =	smax.u32 s19, $0x1  }
0x15: {  	s11 =	sadd.s32 s11, s17;
	s12 =	sadd.s32 s12, s17;
	s14 =	sadd.s32 s18, s14  }
0x16: {  	s15 =	sadd.s32 s18, s15;
	s17 =	sshrl.u32 s30, $0x3;
	s16 =	sadd.s32 s18, s16  }
0x17: {  	s17 =	sadd.s32 s18, s17;
	s18 =	sadd.s32 s18, s20;
	s20 =	simm.s32 $0x1AC00  }
.LBB2_1:
0x18: {  	[tilespmem:s20], [sflag:$0x1] =	stream.linear.gather [hbm4b:s5+s4], $0x4000, $0x38;
	[tilespmem:$0x1EC00] =	vst v63  }
0x19: {  	_ =	swait.ge [sflag:s21], $0x4000  }
0x1a: {  	[sflag:s21] =	ssyncset.done $0x0  }
0x1b: {  	[sflag:s21] =	ssyncadd.s32 $0xFFFFC000  }
0x1c: {  	[spmem:s6] =	stream.linear.scatter [tilespmem:s20], [sflag:$0x1], $0x4000, $0x38;
	[tilespmem:$0x1EC00] =	vst v63  }
0x1d: {  	_ =	swait.ge [sflag:s21], $0x4000  }
0x1e: {  	[sflag:s21] =	ssyncset.done $0x0  }
0x1f: {  	[sflag:s21] =	ssyncadd.s32 $0xFFFFC000  }
0x20: {  	[spmem:s7] =	stream.linear.scatter [tilespmem:s20], [sflag:$0x1], $0x4000, $0x38;
	[tilespmem:$0x1EC00] =	vst v63  }
0x21: {  	_ =	swait.ge [sflag:s21], $0x4000  }
0x22: {  	[sflag:s21] =	ssyncset.done $0x0  }
0x23: {  	[sflag:s21] =	ssyncadd.s32 $0xFFFFC000  }
0x24: {  	[spmem:s8] =	stream.linear.scatter [tilespmem:s20], [sflag:$0x1], $0x4000, $0x38;
	[tilespmem:$0x1EC00] =	vst v63  }
0x25: {  	_ =	swait.ge [sflag:s21], $0x4000  }
0x26: {  	[sflag:s21] =	ssyncset.done $0x0  }
0x27: {  	[sflag:s21] =	ssyncadd.s32 $0xFFFFC000  }
0x28: {  	[spmem:s9] =	stream.linear.scatter [tilespmem:s20], [sflag:$0x1], $0x4000, $0x38;
	[tilespmem:$0x1EC00] =	vst v63  }
0x29: {  	_ =	swait.ge [sflag:s21], $0x4000  }
0x2a: {  	[sflag:s21] =	ssyncset.done $0x0  }
0x2b: {  	[sflag:s21] =	ssyncadd.s32 $0xFFFFC000  }
0x2c: {  	[spmem:s10] =	stream.linear.scatter [tilespmem:s20], [sflag:$0x1], $0x3C00, $0x38;
	[tilespmem:$0x1EC00] =	vst v63  }
0x2d: {  	_ =	swait.ge [sflag:s21], $0x3C00  }
0x2e: {  	[sflag:s21] =	ssyncset.done $0x0  }
0x2f: {  	s24 =	simm.s32 $0x13C00;
	[sflag:s21] =	ssyncadd.s32 $0xFFFFC400  }
0x30: {  	[tilespmem:s24], [sflag:$0x1] =	stream.linear.gather [hbm4b:s11+s4], $0x3800, $0x38;
	[tilespmem:$0x1EC00] =	vst v63  }
0x31: {  	_ =	swait.ge [sflag:s21], $0x3800  }
0x32: {  	[sflag:s21] =	ssyncset.done $0x0  }
0x33: {  	[sflag:s21] =	ssyncadd.s32 $0xFFFFC800  }
0x34: {  	s25 =	simm.s32 $0x17400;
	[bflag:$0x0] =	sbarrier.arrive $0xFFFF  }
0x35: {  	[tilespmem:s25], [sflag:$0x1] =	stream.linear.gather [hbm4b:s12+s4], $0x3800, $0x38;
	[tilespmem:$0x1EC00] =	vst v63  }
0x36: {  	_ =	swait.ge [sflag:s21], $0x3800  }
0x37: {  	[sflag:s21] =	ssyncset.done $0x0  }
0x38: {  	[sflag:s21] =	ssyncadd.s32 $0xFFFFC800  }
0x39: {  	[tilespmem:s20], [sflag:$0x1] =	stream.indirect.gather [hbm4b:s1+s22], $0x80, s25, s22, $0xb8;
	[tilespmem:$0x1EC00] =	vst v63  }
0x3a: {  	p0 =	sne.s32 s13, $0x1;
	_ =	swait.ge [sflag:s21], $0x4000  }
.Ltmp0:
0x3b: {  	[sflag:s21] =	ssyncset.done $0x0;
	(pc) =	sbr.rel @!p0 .LBB2_3-.Ltmp0, $4  }
0x3c: {  	[sflag:s21] =	ssyncadd.s32 $0xFFFFC000  }
0x3d: {  	[spmem:s2] =	stream.indirect.scatter.add.f32 [tilespmem:s20], [sflag:$0x1], $0x80, s24, s22, $0xb8;
	[tilespmem:$0x1EC00] =	vst v63  }
0x3e: {  	_ =	swait.ge [sflag:s21], $0x4000  }
0x3f: {  	s26 =	sadd.s32 $0xFFFFFFFF, s13;
	[sflag:s21] =	ssyncset.done $0x0  }
.LBB2_2:
0x40: {  	[sflag:s21] =	ssyncadd.s32 $0xFFFFC000;
	s25 =	sadd.s32 $0x80, s25;
	s24 =	sadd.s32 $0x80, s24  }
0x41: {  	[tilespmem:s20], [sflag:$0x1] =	stream.indirect.gather [hbm4b:s1+s22], $0x80, s25, s22, $0xb8;
	[tilespmem:$0x1EC00] =	vst v63  }
0x42: {  	p0 =	sne.s32 s26, $0x1;
	s26 =	sadd.s32 $0xFFFFFFFF, s26;
	_ =	swait.ge [sflag:s21], $0x4000  }
.Ltmp1:
0x43: {  	[sflag:s21] =	ssyncset.done $0x0;
	(pc) =	sbr.rel @p0 .LBB2_2-.Ltmp1, $4  }
0x44: {  	[sflag:s21] =	ssyncadd.s32 $0xFFFFC000  }
0x45: {  	[spmem:s2] =	stream.indirect.scatter.add.f32 [tilespmem:s20], [sflag:$0x1], $0x80, s24, s22, $0xb8;
	[tilespmem:$0x1EC00] =	vst v63  }
0x46: {  	_ =	swait.ge [sflag:s21], $0x4000  }
0x47: {  	[sflag:s21] =	ssyncset.done $0x0  }
.LBB2_3:
0x48: {  	[sflag:s21] =	ssyncadd.s32 $0xFFFFC000  }
0x49: {  	[bflag:$0x0] =	sbarrier.arrive $0xFFFF  }
0x4a: {  	[tilespmem:s20], [sflag:$0x1] =	stream.linear.gather [spmem:s6], $0x4000, $0x38;
	[tilespmem:$0x1EC00] =	vst v63  }
0x4b: {  	_ =	swait.ge [sflag:s21], $0x4000  }
0x4c: {  	[sflag:s21] =	ssyncset.done $0x0  }
0x4d: {  	[sflag:s21] =	ssyncadd.s32 $0xFFFFC000  }
0x4e: {  	[hbm4b:s14+s4] =	stream.linear.scatter [tilespmem:s20], [sflag:$0x1], $0x4000, $0x38;
	[tilespmem:$0x1EC00] =	vst v63  }
0x4f: {  	_ =	swait.ge [sflag:s21], $0x4000  }
0x50: {  	[sflag:s21] =	ssyncset.done $0x0  }
0x51: {  	[sflag:s21] =	ssyncadd.s32 $0xFFFFC000  }
0x52: {  	[tilespmem:s20], [sflag:$0x1] =	stream.linear.gather [spmem:s7], $0x4000, $0x38;
	[tilespmem:$0x1EC00] =	vst v63  }
0x53: {  	_ =	swait.ge [sflag:s21], $0x4000  }
0x54: {  	[sflag:s21] =	ssyncset.done $0x0  }
0x55: {  	[sflag:s21] =	ssyncadd.s32 $0xFFFFC000  }
0x56: {  	[hbm4b:s15+s4] =	stream.linear.scatter [tilespmem:s20], [sflag:$0x1], $0x4000, $0x38;
	[tilespmem:$0x1EC00] =	vst v63  }
0x57: {  	_ =	swait.ge [sflag:s21], $0x4000  }
0x58: {  	[sflag:s21] =	ssyncset.done $0x0  }
0x59: {  	[sflag:s21] =	ssyncadd.s32 $0xFFFFC000  }
0x5a: {  	[tilespmem:s20], [sflag:$0x1] =	stream.linear.gather [spmem:s8], $0x4000, $0x38;
	[tilespmem:$0x1EC00] =	vst v63  }
0x5b: {  	_ =	swait.ge [sflag:s21], $0x4000  }
0x5c: {  	[sflag:s21] =	ssyncset.done $0x0  }
0x5d: {  	[sflag:s21] =	ssyncadd.s32 $0xFFFFC000  }
0x5e: {  	[hbm4b:s16+s4] =	stream.linear.scatter [tilespmem:s20], [sflag:$0x1], $0x4000, $0x38;
	[tilespmem:$0x1EC00] =	vst v63  }
0x5f: {  	_ =	swait.ge [sflag:s21], $0x4000  }
0x60: {  	[sflag:s21] =	ssyncset.done $0x0  }
0x61: {  	[sflag:s21] =	ssyncadd.s32 $0xFFFFC000  }
0x62: {  	[tilespmem:s20], [sflag:$0x1] =	stream.linear.gather [spmem:s9], $0x4000, $0x38;
	[tilespmem:$0x1EC00] =	vst v63  }
0x63: {  	_ =	swait.ge [sflag:s21], $0x4000  }
0x64: {  	[sflag:s21] =	ssyncset.done $0x0  }
0x65: {  	[sflag:s21] =	ssyncadd.s32 $0xFFFFC000  }
0x66: {  	[hbm4b:s17+s4] =	stream.linear.scatter [tilespmem:s20], [sflag:$0x1], $0x4000, $0x38;
	[tilespmem:$0x1EC00] =	vst v63  }
0x67: {  	_ =	swait.ge [sflag:s21], $0x4000  }
0x68: {  	[sflag:s21] =	ssyncset.done $0x0  }
0x69: {  	[sflag:s21] =	ssyncadd.s32 $0xFFFFC000  }
0x6a: {  	[tilespmem:s20], [sflag:$0x1] =	stream.linear.gather [spmem:s10], $0x3C00, $0x38;
	[tilespmem:$0x1EC00] =	vst v63  }
0x6b: {  	s23 =	sadd.s32 $0x1, s23;
	_ =	swait.ge [sflag:s21], $0x3C00  }
0x6c: {  	p0 =	sne.s32 s23, s19;
	[sflag:s21] =	ssyncset.done $0x0  }
.Ltmp2:
0x6d: {  	[sflag:s21] =	ssyncadd.s32 $0xFFFFC400;
	(pc) =	sbr.rel @p0 .LBB2_1-.Ltmp2, $4  }
0x6e: {  	[hbm4b:s18+s4] =	stream.linear.scatter [tilespmem:s20], [sflag:$0x1], $0x3C00, $0x38;
	[tilespmem:$0x1EC00] =	vst v63  }
0x6f: {  	_ =	swait.ge [sflag:s21], $0x3C00  }
0x70: {  	[sflag:s21] =	ssyncset.done $0x0  }
0x71: {  	[sflag:s21] =	ssyncadd.s32 $0xFFFFC400  }
0x72: {  	_ =	sfence.sel $0x180000  }
0x73: {  	[bflag:$0x0] =	sbarrier.arrive $0xFFFF  }
0x74: {  	p0 =	sne.s32 s3, $0x0;
	_ =	strace $0x90000047  }
0x75: {  	s0 =	sadd.s32 @!p0 $0x100000, s0;
	[bflag:$0x2] =	sbarrier.arrive $0xFFFF  }
0x76: {  	[sflag:s0] =	ssyncadd.tile.s32 @!p0 $0x1;
	_ =	shalt  }
.Lfunc_end2:
_tile_overlayer_lowered:
.L_overlay_start_2:
0x77: {  	(tag) =	ssettag $0x2  }
0x78: {  	s0 =	rddreg [dreg:$0x0];
	s2 =	stileid.u32  }
0x79: {  	s1 =	rddreg [dreg:$0x1];
	p0 =	sne.s32 s2, $0x0  }
0x7a: {  	s3 =	rddreg [dreg:$0x2];
	[bflag:$0x3] =	sbarrier.arrive $0xFFFF;
	s2 =	simm.s32 @!p0 $0x1C01  }
0x7b: {  	[timem:s3], [sflag:s2] =	dma.local @!p0 [hbm:s0], s1  }
0x7c: {  	s0 =	simm.s32 @!p0 $0x1  }
0x7d: {  	_ =	swait.ge @!p0 [sflag:s0], s1  }
0x7e: {  	s1 =	ssub.s32 @!p0 $0x0, s1;
	[sflag:s0] =	ssyncset.done @!p0 $0x0  }
0x7f: {  	[sflag:s0] =	ssyncadd.s32 @!p0 s1  }
0x80: {  	[bflag:$0x3] =	sbarrier.arrive $0xFFFF  }
0x81: {  	_ =	shalt  }

// kernel: kernel.9.cloned.1.call-start
scs
__scs_entry_jumppad:
0x0: {  	(pc) =	sbr.rel $0x88, $3  }
0x1: {  	(tag) =	ssettag $0x0;
	lr =	simm.s32 $0x1  }
0x2: {  	[smem:$0x3F95] =	sst lr;
	_ =	strace $0xD0000000  }
0x3: {  	_ = 	snop  }
0x4: {  	_ = 	snop  }
0x5: {  	_ = 	snop  }
0x6: {  	_ = 	snop  }
0x7: {  	_ = 	snop  }
__scs_overlays_trampoline_lowered:
0x8: {  	[smem:$0x3FA4] =	sst s0  }
0x9: {  	[smem:$0x3FA5] =	sst s1  }
0xa: {  	[smem:$0x3FA6] =	sst s2  }
0xb: {  	[smem:$0x3FA7] =	sst s3  }
0xc: {  	[smem:$0x3FA8] =	sst s4  }
0xd: {  	[smem:$0x3FA9] =	sst s5  }
0xe: {  	[smem:$0x3FAA] =	sst s6  }
0xf: {  	[smem:$0x3FAB] =	sst s7  }
0x10: {  	[smem:$0x3FAC] =	sst s8  }
0x11: {  	[smem:$0x3FAD] =	sst s9;
	s0 =	simm.s32 @!p0 $0x0  }
0x12: {  	s1 =	sld [smem:$0x3F93];
	s0 =	simm.s32 @p0 $0x1  }
0x13: {  	[smem:$0x3FAE] =	sst s0;
	s0 =	simm.s32 @!p1 $0x0  }
0x14: {  	s2 =	sld [smem:$0x3F92];
	s0 =	simm.s32 @p1 $0x1  }
0x15: {  	[smem:$0x3FAF] =	sst s0;
	s0 =	simm.s32 @!p2 $0x0  }
0x16: {  	s3 =	sld [smem:$0x3FDB];
	s0 =	simm.s32 @p2 $0x1  }
0x17: {  	s4 =	simm.s32 $0x1BF5;
	[smem:$0x3FB1] =	sst s0  }
0x18: {  	s0 =	sld [smem:$0x3F94];
	_ =	swait.ge [sflag:s4], $0x0  }
0x19: {  	s7 =	sld [smem:$0x3F95]  }
0x1a: {  	s8 =	sadd.s32 $0xFFFFE003, lr  }
0x1b: {  	s9 =	sadd.s32 $0xFFFFFEF7, lr;
	s5 =	simm.s32 $0xFFFFFFFF;
	p2 =	slt.u32 s8, $0xFFFFF086  }
0x1c: {  	p1 =	slt.u32 s9, $0xF7A;
	s5 =	simm.s32 @!p2 $0x0  }
0x1d: {  	s5 =	simm.s32 @p1 $0x1;
	p0 =	seq.s32 s7, s2  }
0x1e: {  	s7 =	smul.u32 @!p0 $0xF7A, s2;
	p2 =	seq.s32 @!p0 s5, $0x0  }
0x1f: {  	s9 =	smul.u32 $0xF7A, s1;
	s8 =	simm.s32 @!p0 $0x1BF5;
	p2 =	por !p2, p0  }
0x20: {  	[sflag:s8] =	ssyncset.s32 @!p0 $0xFFFFF086;
	s6 =	sadd.s32 @!p0 s3, s7;
	s7 =	simm.s32 @!p0 $0x108  }
0x21: {  	s3 =	sadd.s32 s3, s9;
	s6 =	sadd.s32 @!p0 $0x88, s6;
	s7 =	simm.s32 @p2 $0x1082  }
0x22: {  	[simem:s7], [sflag:s8] =	dma.local @!p0 [hbm:s6], $0xF7A  }
0x23: {  	s9 =	sor.u32 $0xD0000000, s2;
	s6 =	simm.s32 $0x108;
	_ =	swait.ge @!p0 [sflag:s8], $0x0  }
0x24: {  	s3 =	sadd.s32 $0x88, s3;
	s6 =	simm.s32 @!p1 $0x1082;
	[sflag:s4] =	ssyncset.s32 $0xFFFFF086  }
0x25: {  	[simem:s6], [sflag:s4] =	dma.local [hbm:s3], $0xF7A  }
0x26: {  	[smem:$0x3F95] =	sst s1;
	(tag) =	ssettag s2;
	_ =	strace s9  }
0x27: {  	s1 =	sld [smem:$0x3FA5]  }
0x28: {  	s2 =	sld [smem:$0x3FA6]  }
0x29: {  	s4 =	sld [smem:$0x3FA8]  }
0x2a: {  	p0 =	seq.s32 s5, $0x0;
	s5 =	sld [smem:$0x3FA9]  }
0x2b: {  	s6 =	sld [smem:$0x3FAA]  }
0x2c: {  	s7 =	sld [smem:$0x3FAB]  }
0x2d: {  	s3 =	simm.s32 $0x108;
	s8 =	sld [smem:$0x3FAC]  }
0x2e: {  	s3 =	simm.s32 @!p0 $0x1082;
	s9 =	sld [smem:$0x3FAD]  }
0x2f: {  	lr =	sadd.s32 s0, s3;
	s0 =	sld [smem:$0x3FA4]  }
0x30: {  	s3 =	sld [smem:$0x3FA7]  }
0x31: {  	[smem:$0x3FB0] =	sst s10  }
0x32: {  	s10 =	sld [smem:$0x3FAE];
	_ =	sdelay $0x3  }
0x33: {  	p0 =	seq.s32 s10, $0x1;
	s10 =	sld [smem:$0x3FB0];
	_ =	sdelay $0x3  }
0x34: {  	[smem:$0x3FB0] =	sst s10  }
0x35: {  	s10 =	sld [smem:$0x3FAF];
	_ =	sdelay $0x3  }
0x36: {  	p1 =	seq.s32 s10, $0x1;
	s10 =	sld [smem:$0x3FB0];
	_ =	sdelay $0x3  }
0x37: {  	[smem:$0x3FB0] =	sst s10  }
0x38: {  	s10 =	sld [smem:$0x3FB1]  }
0x39: {  	_ = 	snop;
	(pc) =	sbr.ind lr, $3  }
0x3a: {  	_ = 	snop  }
0x3b: {  	_ = 	snop  }
0x3c: {  	p2 =	seq.s32 s10, $0x1;
	s10 =	sld [smem:$0x3FB0]  }
0x3d: {  	_ =	shalt  }
0x3e: {  	_ =	shalt  }
0x3f: {  	_ =	shalt  }
0x40: {  	_ =	shalt  }
0x41: {  	_ =	shalt  }
0x42: {  	_ =	shalt  }
0x43: {  	_ =	shalt  }
0x44: {  	_ =	shalt  }
0x45: {  	_ =	shalt  }
0x46: {  	_ =	shalt  }
0x47: {  	_ =	shalt  }
0x48: {  	_ =	shalt  }
0x49: {  	_ =	shalt  }
0x4a: {  	_ =	shalt  }
0x4b: {  	_ =	shalt  }
0x4c: {  	_ =	shalt  }
0x4d: {  	_ =	shalt  }
0x4e: {  	_ =	shalt  }
0x4f: {  	_ =	shalt  }
0x50: {  	_ =	shalt  }
0x51: {  	_ =	shalt  }
0x52: {  	_ =	shalt  }
0x53: {  	_ =	shalt  }
0x54: {  	_ =	shalt  }
0x55: {  	_ =	shalt  }
0x56: {  	_ =	shalt  }
0x57: {  	_ =	shalt  }
0x58: {  	_ =	shalt  }
0x59: {  	_ =	shalt  }
0x5a: {  	_ =	shalt  }
0x5b: {  	_ =	shalt  }
0x5c: {  	_ =	shalt  }
0x5d: {  	_ =	shalt  }
0x5e: {  	_ =	shalt  }
0x5f: {  	_ =	shalt  }
0x60: {  	_ =	shalt  }
0x61: {  	_ =	shalt  }
0x62: {  	_ =	shalt  }
0x63: {  	_ =	shalt  }
0x64: {  	_ =	shalt  }
0x65: {  	_ =	shalt  }
0x66: {  	_ =	shalt  }
0x67: {  	_ =	shalt  }
0x68: {  	_ =	shalt  }
0x69: {  	_ =	shalt  }
0x6a: {  	_ =	shalt  }
0x6b: {  	_ =	shalt  }
0x6c: {  	_ =	shalt  }
0x6d: {  	_ =	shalt  }
0x6e: {  	_ =	shalt  }
0x6f: {  	_ =	shalt  }
0x70: {  	_ =	shalt  }
0x71: {  	_ =	shalt  }
0x72: {  	_ =	shalt  }
0x73: {  	_ =	shalt  }
0x74: {  	_ =	shalt  }
0x75: {  	_ =	shalt  }
0x76: {  	_ =	shalt  }
0x77: {  	_ =	shalt  }
0x78: {  	_ =	shalt  }
0x79: {  	_ =	shalt  }
0x7a: {  	_ =	shalt  }
0x7b: {  	_ =	shalt  }
0x7c: {  	_ =	shalt  }
0x7d: {  	_ =	shalt  }
0x7e: {  	_ =	shalt  }
0x7f: {  	_ =	shalt  }
0x80: {  	_ =	shalt  }
0x81: {  	_ =	shalt  }
0x82: {  	_ =	shalt  }
0x83: {  	_ =	shalt  }
0x84: {  	_ =	shalt  }
0x85: {  	_ =	shalt  }
0x86: {  	_ =	shalt  }
0x87: {  	_ =	shalt  }
.Lfunc_end0:
.L_simem_size_0:
called_computation.1_lowered:
.L_overlay_start_0:
0x88: {  	s2 =	sld [smem:$0x3FD9]  }
0x89: {  	s3 =	sld [smem:$0x3FFE];
	_ =	sdelay $0x1  }
0x8a: {  	s1 =	srdreg.scid  }
0x8b: {  	s0 =	sand.u32 $0x1, s1  }
0x8c: {  	s14 =	sshll.u32 s0, $0xA;
	s2 =	sadd.s32 s3, s2  }
0x8d: {  	s2 =	sadd.s32 s2, s14  }
0x8e: {  	[smem:$0x3FBC] =	sst s2  }
0x8f: {  	_ = 	snop  }
0x90: {  	s2 =	sld [smem:$0x3FD0];
	_ =	sdelay $0x2  }
0x91: {  	s15 =	simm.s32 $0xA;
	s4 =	simm.s32 $0x10  }
0x92: {  	[smem:s4], [sflag:s15] =	dma.local [hbm:s2], $0x1  }
0x93: {  	_ =	swait.eq [sflag:s15], $0x1  }
0x94: {  	[sflag:s15] =	ssyncset.done $0x0  }
0x95: {  	[sflag:s15] =	ssyncadd.s32 $0xFFFFFFFF  }
0x96: {  	s16 =	sld [smem:$0x11];
	(tm) =	ssettm $0x1  }
0x97: {  	s17 =	sld [smem:$0x3FFB];
	_ =	sdelay $0x3  }
0x98: {  	_ =	strace s17  }
0x99: {  	s3 =	sld [smem:$0x3FFC];
	_ =	sdelay $0x3  }
0x9a: {  	_ =	strace s3  }
0x9b: {  	s3 =	sld [smem:$0x3FFD];
	_ =	sdelay $0x3  }
0x9c: {  	_ =	strace s3  }
0x9d: {  	_ =	strace $0x8FFFFFFF  }
0x9e: {  	s18 =	sld [smem:$0x3FDB];
	_ =	sdelay $0x1  }
0x9f: {  	s19 =	simm.s32 $_scs_section_size  }
0xa0: {  	s5 =	simm.s32 $_size__tile_overlayer_lowered;
	s6 =	simm.s32 $_tile_overlayer_lowered  }
0xa1: {  	s22 =	simm.s32 $0x1BFF;
	s21 =	sshll.u32 s6, $0x1;
	s3 =	sadd.s32 s19, s18  }
0xa2: {  	s7 =	simm.s32 $0x0;
	s20 =	sshll.u32 s5, $0x1;
	s5 =	sadd.s32 s21, s3  }
0xa3: {  	[timem:s7], [sflag:s22] =	dma.local [hbm:s5], s20  }
0xa4: {  	_ =	swait.ge [sflag:s22], s20  }
0xa5: {  	s4 =	ssub.s32 $0x0, s20;
	[sflag:s22] =	ssyncset.done $0x0  }
0xa6: {  	[sflag:s22] =	ssyncadd.s32 s4;
	_ =	sdelay $0x1  }
0xa7: {  	s23 =	simm.s32 $0x1B8B  }
0xa8: {  	_ =	swait.ge [sflag:s23], $0x1  }
0xa9: {  	[sflag:s23] =	ssyncset.done $0x0  }
0xaa: {  	s25 =	simm.s32 $0x1B8E;
	s24 =	sld [smem:$0x3FFE];
	[sflag:s23] =	ssyncadd.s32 $0xFFFFFFFF  }
0xab: {  	s26 =	simm.s32 $execute0_lowered;
	[smem:$0x3FD2] =	sst s25  }
0xac: {  	s5 =	sshll.u32 s26, $0x1;
	_ =	strace $0x80000049;
	[dreg:$0x1] =	wrdreg $0xFFFFFFFF  }
0xad: {  	s28 =	simm.s32 $_size_execute0_lowered;
	s3 =	sadd.s32 s3, s5;
	[dreg:$0x0] =	wrdreg $0x0  }
0xae: {  	s5 =	sshll.u32 s28, $0x1;
	[dreg:$0x2] =	wrdreg s3  }
0xaf: {  	[dreg:$0x3] =	wrdreg s5  }
0xb0: {  	[dreg:$0x4] =	wrdreg $0xC0  }
0xb1: {  	_ =	task [dreg:s7], $0x5FFFF  }
0xb2: {  	[dreg:$0x1] =	wrdreg $0xFFFFFFFF  }
0xb3: {  	[dreg:$0x0] =	wrdreg $0x60  }
0xb4: {  	[dreg:$0x2] =	wrdreg s16  }
0xb5: {  	[dreg:$0x3] =	wrdreg s24  }
0xb6: {  	[dreg:$0x4] =	wrdreg $0x0  }
0xb7: {  	[dreg:$0x5] =	wrdreg $0x9  }
0xb8: {  	_ =	task.clear_ibuf [dreg:s7], $0x6FFFF;
	_ =	strace $0x90000049  }
0xb9: {  	s29 =	simm.s32 $0x9;
	_ =	strace $0x8000004B  }
0xba: {  	_ =	swait.ge [sflag:s29], $0x1  }
0xbb: {  	[sflag:s29] =	ssyncadd.s32 $0xFFFFFFFF  }
0xbc: {  	_ =	strace $0x9000004B  }
0xbd: {  	_ =	sfence  }
0xbe: {  	s30 =	sld [smem:$0x0];
	_ =	sdelay $0x2  }
0xbf: {  	s31 =	sshll.u32 s1, $0xD;
	s1 =	sshrl.u32 s1, $0x2  }
0xc0: {  	s3 =	sand.u32 $0x4000, s31;
	s1 =	sadd.s32 s1, s30  }
0xc1: {  	s0 =	sor.u32 s3, s0;
	s1 =	sshll.u32 s1, $0x11  }
0xc2: {  	s0 =	sor.u32 s1, s0  }
0xc3: {  	s0 =	sadd.s32 $0x8F2B, s0  }
0xc4: {  	[sflag:s0] =	ssyncadd.remote.s32 $0x1  }
0xc5: {  	_ =	sfence.sel $0xFFFF  }
0xc6: {  	[dreg:$0x0] =	wrdreg $0xFFFFFFFF;
	(pc) =	sbr.abs _section_cstart, $3  }
0xc7: {  	[dreg:$0x1] =	wrdreg $0xFFFFFFFF  }
0xc8: {  	_ =	task.clear_ibuf [dreg:s7], $0x2FFFF;
	_ =	strace $0x9FFFFFFF  }
0xc9: {  	(tm) =	ssettm $0x7FFFFFFF  }
tec
execute0_lowered:
.L_overlay_start_1:
0x0: {  	(tag) =	ssettag $0x1  }
0x1: {  	s0 =	rddreg [dreg:$0x0]  }
0x2: {  	s1 =	srdreg.scid;
	s6 =	rddreg [dreg:$0x1]  }
0x3: {  	s3 =	rddreg [dreg:$0x2];
	s2 =	stileid.u32;
	s4 =	simm.s32 $0x0  }
0x4: {  	s22 =	simm.s32 $0x80;
	s13 =	sand.u32 $0x1, s1;
	s1 =	rddreg [dreg:$0x3]  }
0x5: {  	s23 =	simm.s32 $0x0;
	[smem:$0x7FF] =	sst s4;
	s8 =	smul.u32 $0x4F000, s2  }
0x6: {  	s14 =	smul.u32 $0x13C00, s2;
	s18 =	sadd.s32 $0x2A00, s6;
	s5 =	sshll.u32 s13, $0x4  }
0x7: {  	_ =	strace $0x8000004A;
	s7 =	ssub.s32 $0x2, s13;
	s21 =	smul.u32 $0x13C000, s13  }
0x8: {  	p0 =	seq.s32 s13, $0x0;
	s13 =	simm.s32 $0x70;
	s5 =	sor.u32 s2, s5  }
0x9: {  	s9 =	sshrl.u32 s7, $0x1;
	s31 =	sshrl.u32 s8, $0x2;
	s15 =	sadd.s32 $0x4000, s14  }
0xa: {  	s16 =	sadd.s32 $0x8000, s14;
	s17 =	sadd.s32 $0xC000, s14;
	s20 =	sadd.s32 $0x10000, s14  }
0xb: {  	s13 =	simm.s32 @!p0 $0x2E;
	s5 =	smul.u32 $0x700, s5;
	s19 =	ssub.s32 s7, s9  }
0xc: {  	s7 =	sadd.s32 s15, s3;
	s8 =	sadd.s32 s16, s3;
	s9 =	sadd.s32 s17, s3  }
0xd: {  	s10 =	sadd.s32 s20, s3;
	s14 =	sadd.s32 s14, s21;
	s15 =	sadd.s32 s21, s15  }
0xe: {  	s16 =	sadd.s32 s21, s16;
	s17 =	sadd.s32 s21, s17;
	s20 =	sadd.s32 s21, s20  }
0xf: {  	s21 =	simm.s32 $0x1;
	s14 =	sshrl.u32 s14, $0x3;
	s15 =	sshrl.u32 s15, $0x3  }
0x10: {  	s16 =	sshrl.u32 s16, $0x3;
	s17 =	sshrl.u32 s17, $0x3;
	s20 =	sshrl.u32 s20, $0x3  }
0x11: {  	s19 =	smax.u32 s19, $0x1;
	s12 =	sadd.s32 s5, s6;
	s5 =	sadd.s32 $0x2200, s6  }
0x12: {  	s6 =	sadd.s32 s31, s3;
	s14 =	sadd.s32 s18, s14;
	s15 =	sadd.s32 s18, s15  }
0x13: {  	s16 =	sadd.s32 s18, s16;
	s17 =	sadd.s32 s18, s17;
	s18 =	sadd.s32 s18, s20  }
0x14: {  	s20 =	simm.s32 $0x1AC00;
	s11 =	sadd.s32 $0x5FA00, s12;
	s12 =	sadd.s32 $0x51A00, s12  }
.LBB2_1:
0x15: {  	[tilespmem:s20], [sflag:$0x1] =	stream.linear.gather [hbm4b:s5+s4], $0x4000, $0x38;
	[tilespmem:$0x1EC00] =	vst v63  }
0x16: {  	_ =	swait.ge [sflag:s21], $0x4000  }
0x17: {  	[sflag:s21] =	ssyncset.done $0x0  }
0x18: {  	[sflag:s21] =	ssyncadd.s32 $0xFFFFC000  }
0x19: {  	[spmem:s6] =	stream.linear.scatter [tilespmem:s20], [sflag:$0x1], $0x4000, $0x38;
	[tilespmem:$0x1EC00] =	vst v63  }
0x1a: {  	_ =	swait.ge [sflag:s21], $0x4000  }
0x1b: {  	[sflag:s21] =	ssyncset.done $0x0  }
0x1c: {  	[sflag:s21] =	ssyncadd.s32 $0xFFFFC000  }
0x1d: {  	[spmem:s7] =	stream.linear.scatter [tilespmem:s20], [sflag:$0x1], $0x4000, $0x38;
	[tilespmem:$0x1EC00] =	vst v63  }
0x1e: {  	_ =	swait.ge [sflag:s21], $0x4000  }
0x1f: {  	[sflag:s21] =	ssyncset.done $0x0  }
0x20: {  	[sflag:s21] =	ssyncadd.s32 $0xFFFFC000  }
0x21: {  	[spmem:s8] =	stream.linear.scatter [tilespmem:s20], [sflag:$0x1], $0x4000, $0x38;
	[tilespmem:$0x1EC00] =	vst v63  }
0x22: {  	_ =	swait.ge [sflag:s21], $0x4000  }
0x23: {  	[sflag:s21] =	ssyncset.done $0x0  }
0x24: {  	[sflag:s21] =	ssyncadd.s32 $0xFFFFC000  }
0x25: {  	[spmem:s9] =	stream.linear.scatter [tilespmem:s20], [sflag:$0x1], $0x4000, $0x38;
	[tilespmem:$0x1EC00] =	vst v63  }
0x26: {  	_ =	swait.ge [sflag:s21], $0x4000  }
0x27: {  	[sflag:s21] =	ssyncset.done $0x0  }
0x28: {  	[sflag:s21] =	ssyncadd.s32 $0xFFFFC000  }
0x29: {  	[spmem:s10] =	stream.linear.scatter [tilespmem:s20], [sflag:$0x1], $0x3C00, $0x38;
	[tilespmem:$0x1EC00] =	vst v63  }
0x2a: {  	_ =	swait.ge [sflag:s21], $0x3C00  }
0x2b: {  	[sflag:s21] =	ssyncset.done $0x0  }
0x2c: {  	s24 =	simm.s32 $0x13C00;
	[sflag:s21] =	ssyncadd.s32 $0xFFFFC400  }
0x2d: {  	[tilespmem:s24], [sflag:$0x1] =	stream.linear.gather [hbm4b:s11+s4], $0x3800, $0x38;
	[tilespmem:$0x1EC00] =	vst v63  }
0x2e: {  	_ =	swait.ge [sflag:s21], $0x3800  }
0x2f: {  	[sflag:s21] =	ssyncset.done $0x0  }
0x30: {  	[sflag:s21] =	ssyncadd.s32 $0xFFFFC800  }
0x31: {  	s25 =	simm.s32 $0x17400;
	[bflag:$0x0] =	sbarrier.arrive $0xFFFF  }
0x32: {  	[tilespmem:s25], [sflag:$0x1] =	stream.linear.gather [hbm4b:s12+s4], $0x3800, $0x38;
	[tilespmem:$0x1EC00] =	vst v63  }
0x33: {  	_ =	swait.ge [sflag:s21], $0x3800  }
0x34: {  	[sflag:s21] =	ssyncset.done $0x0  }
0x35: {  	[sflag:s21] =	ssyncadd.s32 $0xFFFFC800  }
0x36: {  	[tilespmem:s20], [sflag:$0x1] =	stream.indirect.gather [hbm4b:s0+s22], $0x80, s25, s22, $0xb8;
	[tilespmem:$0x1EC00] =	vst v63  }
0x37: {  	p0 =	sne.s32 s13, $0x1;
	_ =	swait.ge [sflag:s21], $0x4000  }
.Ltmp0:
0x38: {  	[sflag:s21] =	ssyncset.done $0x0;
	(pc) =	sbr.rel @!p0 .LBB2_3-.Ltmp0, $4  }
0x39: {  	[sflag:s21] =	ssyncadd.s32 $0xFFFFC000  }
0x3a: {  	[spmem:s3] =	stream.indirect.scatter.add.f32 [tilespmem:s20], [sflag:$0x1], $0x80, s24, s22, $0xb8;
	[tilespmem:$0x1EC00] =	vst v63  }
0x3b: {  	_ =	swait.ge [sflag:s21], $0x4000  }
0x3c: {  	s26 =	sadd.s32 $0xFFFFFFFF, s13;
	[sflag:s21] =	ssyncset.done $0x0  }
.LBB2_2:
0x3d: {  	[sflag:s21] =	ssyncadd.s32 $0xFFFFC000;
	s25 =	sadd.s32 $0x80, s25;
	s24 =	sadd.s32 $0x80, s24  }
0x3e: {  	[tilespmem:s20], [sflag:$0x1] =	stream.indirect.gather [hbm4b:s0+s22], $0x80, s25, s22, $0xb8;
	[tilespmem:$0x1EC00] =	vst v63  }
0x3f: {  	p0 =	sne.s32 s26, $0x1;
	s26 =	sadd.s32 $0xFFFFFFFF, s26;
	_ =	swait.ge [sflag:s21], $0x4000  }
.Ltmp1:
0x40: {  	[sflag:s21] =	ssyncset.done $0x0;
	(pc) =	sbr.rel @p0 .LBB2_2-.Ltmp1, $4  }
0x41: {  	[sflag:s21] =	ssyncadd.s32 $0xFFFFC000  }
0x42: {  	[spmem:s3] =	stream.indirect.scatter.add.f32 [tilespmem:s20], [sflag:$0x1], $0x80, s24, s22, $0xb8;
	[tilespmem:$0x1EC00] =	vst v63  }
0x43: {  	_ =	swait.ge [sflag:s21], $0x4000  }
0x44: {  	[sflag:s21] =	ssyncset.done $0x0  }
.LBB2_3:
0x45: {  	[sflag:s21] =	ssyncadd.s32 $0xFFFFC000  }
0x46: {  	[bflag:$0x0] =	sbarrier.arrive $0xFFFF  }
0x47: {  	[tilespmem:s20], [sflag:$0x1] =	stream.linear.gather [spmem:s6], $0x4000, $0x38;
	[tilespmem:$0x1EC00] =	vst v63  }
0x48: {  	_ =	swait.ge [sflag:s21], $0x4000  }
0x49: {  	[sflag:s21] =	ssyncset.done $0x0  }
0x4a: {  	[sflag:s21] =	ssyncadd.s32 $0xFFFFC000  }
0x4b: {  	[hbm4b:s14+s4] =	stream.linear.scatter [tilespmem:s20], [sflag:$0x1], $0x4000, $0x38;
	[tilespmem:$0x1EC00] =	vst v63  }
0x4c: {  	_ =	swait.ge [sflag:s21], $0x4000  }
0x4d: {  	[sflag:s21] =	ssyncset.done $0x0  }
0x4e: {  	[sflag:s21] =	ssyncadd.s32 $0xFFFFC000  }
0x4f: {  	[tilespmem:s20], [sflag:$0x1] =	stream.linear.gather [spmem:s7], $0x4000, $0x38;
	[tilespmem:$0x1EC00] =	vst v63  }
0x50: {  	_ =	swait.ge [sflag:s21], $0x4000  }
0x51: {  	[sflag:s21] =	ssyncset.done $0x0  }
0x52: {  	[sflag:s21] =	ssyncadd.s32 $0xFFFFC000  }
0x53: {  	[hbm4b:s15+s4] =	stream.linear.scatter [tilespmem:s20], [sflag:$0x1], $0x4000, $0x38;
	[tilespmem:$0x1EC00] =	vst v63  }
0x54: {  	_ =	swait.ge [sflag:s21], $0x4000  }
0x55: {  	[sflag:s21] =	ssyncset.done $0x0  }
0x56: {  	[sflag:s21] =	ssyncadd.s32 $0xFFFFC000  }
0x57: {  	[tilespmem:s20], [sflag:$0x1] =	stream.linear.gather [spmem:s8], $0x4000, $0x38;
	[tilespmem:$0x1EC00] =	vst v63  }
0x58: {  	_ =	swait.ge [sflag:s21], $0x4000  }
0x59: {  	[sflag:s21] =	ssyncset.done $0x0  }
0x5a: {  	[sflag:s21] =	ssyncadd.s32 $0xFFFFC000  }
0x5b: {  	[hbm4b:s16+s4] =	stream.linear.scatter [tilespmem:s20], [sflag:$0x1], $0x4000, $0x38;
	[tilespmem:$0x1EC00] =	vst v63  }
0x5c: {  	_ =	swait.ge [sflag:s21], $0x4000  }
0x5d: {  	[sflag:s21] =	ssyncset.done $0x0  }
0x5e: {  	[sflag:s21] =	ssyncadd.s32 $0xFFFFC000  }
0x5f: {  	[tilespmem:s20], [sflag:$0x1] =	stream.linear.gather [spmem:s9], $0x4000, $0x38;
	[tilespmem:$0x1EC00] =	vst v63  }
0x60: {  	_ =	swait.ge [sflag:s21], $0x4000  }
0x61: {  	[sflag:s21] =	ssyncset.done $0x0  }
0x62: {  	[sflag:s21] =	ssyncadd.s32 $0xFFFFC000  }
0x63: {  	[hbm4b:s17+s4] =	stream.linear.scatter [tilespmem:s20], [sflag:$0x1], $0x4000, $0x38;
	[tilespmem:$0x1EC00] =	vst v63  }
0x64: {  	_ =	swait.ge [sflag:s21], $0x4000  }
0x65: {  	[sflag:s21] =	ssyncset.done $0x0  }
0x66: {  	[sflag:s21] =	ssyncadd.s32 $0xFFFFC000  }
0x67: {  	[tilespmem:s20], [sflag:$0x1] =	stream.linear.gather [spmem:s10], $0x3C00, $0x38;
	[tilespmem:$0x1EC00] =	vst v63  }
0x68: {  	s23 =	sadd.s32 $0x1, s23;
	_ =	swait.ge [sflag:s21], $0x3C00  }
0x69: {  	p0 =	sne.s32 s23, s19;
	[sflag:s21] =	ssyncset.done $0x0  }
.Ltmp2:
0x6a: {  	[sflag:s21] =	ssyncadd.s32 $0xFFFFC400;
	(pc) =	sbr.rel @p0 .LBB2_1-.Ltmp2, $4  }
0x6b: {  	[hbm4b:s18+s4] =	stream.linear.scatter [tilespmem:s20], [sflag:$0x1], $0x3C00, $0x38;
	[tilespmem:$0x1EC00] =	vst v63  }
0x6c: {  	_ =	swait.ge [sflag:s21], $0x3C00  }
0x6d: {  	[sflag:s21] =	ssyncset.done $0x0  }
0x6e: {  	[sflag:s21] =	ssyncadd.s32 $0xFFFFC400  }
0x6f: {  	_ =	sfence.sel $0x180000  }
0x70: {  	[bflag:$0x0] =	sbarrier.arrive $0xFFFF  }
0x71: {  	p0 =	sne.s32 s2, $0x0;
	_ =	strace $0x9000004A  }
0x72: {  	s0 =	sadd.s32 @!p0 $0x100000, s1;
	[bflag:$0x2] =	sbarrier.arrive $0xFFFF  }
0x73: {  	[sflag:s0] =	ssyncadd.tile.s32 @!p0 $0x1;
	_ =	shalt  }
.Lfunc_end2:
_tile_overlayer_lowered:
.L_overlay_start_2:
0x74: {  	(tag) =	ssettag $0x2  }
0x75: {  	s0 =	rddreg [dreg:$0x0];
	s2 =	stileid.u32  }
0x76: {  	s1 =	rddreg [dreg:$0x1];
	p0 =	sne.s32 s2, $0x0  }
0x77: {  	s3 =	rddreg [dreg:$0x2];
	[bflag:$0x3] =	sbarrier.arrive $0xFFFF;
	s2 =	simm.s32 @!p0 $0x1C01  }
0x78: {  	[timem:s3], [sflag:s2] =	dma.local @!p0 [hbm:s0], s1  }
0x79: {  	s0 =	simm.s32 @!p0 $0x1  }
0x7a: {  	_ =	swait.ge @!p0 [sflag:s0], s1  }
0x7b: {  	s1 =	ssub.s32 @!p0 $0x0, s1;
	[sflag:s0] =	ssyncset.done @!p0 $0x0  }
0x7c: {  	[sflag:s0] =	ssyncadd.s32 @!p0 s1  }
0x7d: {  	[bflag:$0x3] =	sbarrier.arrive $0xFFFF  }
0x7e: {  	_ =	shalt  }

</sc_bundles>
